<compile_context>
chip_gen: v7x
topology: tpu7x:2x2x1
jax: 0.10.2.dev20260603
libtpu: 0.0.44.dev20260713+nightly
codegen_flags: <defaults>
</compile_context>

<pallas_src>
import functools

import jax
import jax.numpy as jnp
from jax import lax
from jax.experimental import pallas as pl
from jax.experimental.pallas import tpu as pltpu
from jax.experimental.pallas import tpu_sc as plsc

_HIDDEN = 768
_GLYPH_DIM = 576
_GL_MAIN = 512
_GL_TAIL = _GLYPH_DIM - _GL_MAIN
_GL_TAILP = 128
_GLYPH_PAD = _GL_MAIN + _GL_TAILP
_PY_OUT = 128
_TAG = 64
_EPS = 1e-12

_N = 8192
_T = 1024
_NW = 32
_BPW = _N // _NW
_CH = 64
_NCHUNK = _BPW // _CH

_TAIL_RB = 1024


def _tail_body(t_ref, o_ref):
    x = t_ref[...]
    lane = lax.broadcasted_iota(jnp.int32, x.shape, 1)
    o_ref[...] = jnp.where(lane < _GL_TAIL, x, 0.0)


def _tail_table(table):
    V = table.shape[0]
    grid = (pl.cdiv(V, _TAIL_RB),)
    return pl.pallas_call(
        _tail_body,
        grid=grid,
        in_specs=[pl.BlockSpec((_TAIL_RB, _GL_TAILP),
                               lambda i: (i, _GL_MAIN // _GL_TAILP))],
        out_specs=pl.BlockSpec((_TAIL_RB, _GL_TAILP), lambda i: (i, 0)),
        out_shape=jax.ShapeDtypeStruct((V, _GL_TAILP), jnp.float32),
    )(table)


def _sc_gather(idx, table, tail):
    mesh = plsc.VectorSubcoreMesh(core_axis_name="c", subcore_axis_name="s")

    @functools.partial(
        pl.kernel,
        mesh=mesh,
        out_type=(
            jax.ShapeDtypeStruct((_N, _GL_MAIN), jnp.float32),
            jax.ShapeDtypeStruct((_N, _GL_TAILP), jnp.float32),
        ),
        scratch_types=[
            pltpu.VMEM((_NCHUNK, _CH), jnp.int32),
            pltpu.VMEM((2, _CH, _GL_MAIN), jnp.float32),
            pltpu.VMEM((2, _CH, _GL_TAILP), jnp.float32),
            pltpu.SemaphoreType.DMA,
            pltpu.SemaphoreType.DMA,
        ],
    )
    def k(idx_hbm, table_hbm, tail_hbm, outm_hbm, outt_hbm,
          idx_v, rows_v, trows_v, gsem, tsem):
        wid = lax.axis_index("s") * 2 + lax.axis_index("c")
        pltpu.sync_copy(idx_hbm.at[wid], idx_v)
        gm = pltpu.async_copy(
            table_hbm.at[idx_v.at[0], pl.ds(0, _GL_MAIN)], rows_v.at[0], gsem)
        gt = pltpu.async_copy(tail_hbm.at[idx_v.at[0]], trows_v.at[0], tsem)
        for c in range(_NCHUNK):
            gm.wait()
            gt.wait()
            if c + 1 < _NCHUNK:
                b = (c + 1) % 2
                gm = pltpu.async_copy(
                    table_hbm.at[idx_v.at[c + 1], pl.ds(0, _GL_MAIN)],
                    rows_v.at[b], gsem)
                gt = pltpu.async_copy(
                    tail_hbm.at[idx_v.at[c + 1]], trows_v.at[b], tsem)
            base = wid * _BPW + c * _CH
            pltpu.sync_copy(rows_v.at[c % 2], outm_hbm.at[pl.ds(base, _CH)])
            pltpu.sync_copy(trows_v.at[c % 2], outt_hbm.at[pl.ds(base, _CH)])

    return k(idx, table, tail)


def _fused_body(word_ref, glm_ref, glt_ref, pin_ref, pos_ref, char_ref, w0_ref, w1_ref,
                cb_ref, tag_ref, fw_ref, fp_ref, fg_ref, ft_ref, fb_ref,
                g_ref, b_ref, out_ref):
    f32 = jnp.float32
    bf16 = jnp.bfloat16
    word = word_ref[...].astype(bf16)
    gl = jnp.concatenate([glm_ref[...], glt_ref[...]],
                         axis=1).astype(bf16)
    pid = pin_ref[...]
    pos = pos_ref[...]

    c0 = jnp.dot(char_ref[...], w0_ref[...], preferred_element_type=f32)
    c1 = jnp.dot(char_ref[...], w1_ref[...], preferred_element_type=f32)
    c01 = jnp.concatenate([c0, c1], axis=1).astype(bf16)
    e = []
    for t in range(8):
        oh = (pid[:, t:t + 1]
              == lax.broadcasted_iota(jnp.int32, (_T, 32), 1)).astype(bf16)
        e.append(jnp.dot(oh, c01, preferred_element_type=f32))
    py = None
    for t in range(7):
        w = e[t][:, :_PY_OUT] + e[t + 1][:, _PY_OUT:]
        py = w if py is None else jnp.maximum(py, w)
    py = py + cb_ref[...]

    oht = (pos == lax.broadcasted_iota(jnp.int32, (_T, _TAG), 1)).astype(bf16)
    tg = jnp.dot(oht, tag_ref[...], preferred_element_type=f32)

    y = (jnp.dot(word, fw_ref[...], preferred_element_type=f32)
         + jnp.dot(py.astype(bf16), fp_ref[...], preferred_element_type=f32)
         + jnp.dot(gl, fg_ref[...], preferred_element_type=f32)
         + jnp.dot(tg.astype(bf16), ft_ref[...], preferred_element_type=f32)
         + fb_ref[...])

    mu = jnp.mean(y, axis=1, keepdims=True)
    yc = y - mu
    var = jnp.mean(yc * yc, axis=1, keepdims=True)
    out_ref[...] = yc * lax.rsqrt(var + _EPS) * g_ref[...] + b_ref[...]


def _tc_fused(word, rowsm, rowst, pid, pos, char_table, w0T, w1T, conv_b, tag_table,
              fw, fp, fg, ft, fc_b, ln_g, ln_b):
    grid = (_N // _T,)
    full = lambda shape: pl.BlockSpec(shape, lambda i: (0, 0))
    tiled = lambda cols: pl.BlockSpec((_T, cols), lambda i: (i, 0))
    return pl.pallas_call(
        _fused_body,
        grid=grid,
        in_specs=[
            tiled(_HIDDEN),
            tiled(_GL_MAIN),
            tiled(_GL_TAILP),
            tiled(8),
            tiled(1),
            full((32, 128)),
            full((128, 128)),
            full((128, 128)),
            full((1, _PY_OUT)),
            full((_TAG, _TAG)),
            full((_HIDDEN, _HIDDEN)),
            full((_PY_OUT, _HIDDEN)),
            full((_GLYPH_PAD, _HIDDEN)),
            full((_TAG, _HIDDEN)),
            full((1, _HIDDEN)),
            full((1, _HIDDEN)),
            full((1, _HIDDEN)),
        ],
        out_specs=tiled(_HIDDEN),
        out_shape=jax.ShapeDtypeStruct((_N, _HIDDEN), jnp.float32),
    )(word, rowsm, rowst, pid, pos, char_table, w0T, w1T, conv_b, tag_table,
      fw, fp, fg, ft, fc_b, ln_g, ln_b)


def kernel(word_embeddings, pinyin_ids, glyph_ids, pos_ids, pos_table,
           glyph_table, pinyin_char_table, pinyin_conv_w, pinyin_conv_b,
           tag_table, fc_w, fc_b, ln_g, ln_b):
    B, S, H = word_embeddings.shape
    word = word_embeddings.reshape(_N, H)
    pid = pinyin_ids.reshape(_N, 8).astype(jnp.int32)
    pos = pos_ids.reshape(_N, 1).astype(jnp.int32)
    gidx = glyph_ids.reshape(_N).astype(jnp.int32).reshape(_NW, _NCHUNK, _CH)

    rowsm, rowst = _sc_gather(gidx, glyph_table, _tail_table(glyph_table))

    bf16 = jnp.bfloat16
    fcT = fc_w.T
    fw = fcT[:H].astype(bf16)
    fp = fcT[H:H + _PY_OUT].astype(bf16)
    gbase = H + _PY_OUT
    fg = jnp.pad(fcT[gbase:gbase + _GLYPH_DIM],
                 ((0, _GLYPH_PAD - _GLYPH_DIM), (0, 0))).astype(bf16)
    ft = fcT[gbase + _GLYPH_DIM:].astype(bf16)
    w0T = pinyin_conv_w[:, :, 0].T
    w1T = pinyin_conv_w[:, :, 1].T

    out = _tc_fused(word, rowsm, rowst, pid, pos, pinyin_char_table, w0T, w1T,
                    pinyin_conv_b.reshape(1, _PY_OUT),
                    tag_table.astype(bf16), fw, fp, fg, ft,
                    fc_b.reshape(1, H), ln_g.reshape(1, H), ln_b.reshape(1, H))
    return out.reshape(B, S, H)

# --- scband reference (transcript-rebuilt; emitter-appended) ---
"""Pipeline reference for scband-fusion-embedding-84980222918820 (READ-ONLY COPY).

The authoritative reference and input builder live on the scoring server;
editing this copy changes nothing except your own understanding.
"""

import jax, jax.numpy as jnp
import numpy as np

HIDDEN = 768
MAX_POS = 2048
PINYIN_OUT = 128
PINYIN_EMB = 128
PINYIN_VOCAB = 32
GLYPH_VOCAB = 23236
GLYPH_DIM = 24 * 24
TAG_SIZE = 64
TAG_DIM = 64
EPS = 1e-12


def setup_inputs(seed: int = 0):
    key = jax.random.key(seed)
    ks = jax.random.split(key, 16)
    B, S = 4, 2048
    inp = {}
    inp["word_embeddings"] = jax.random.normal(ks[0], (B, S, HIDDEN), dtype=jnp.float32)
    inp["pinyin_ids"] = jax.random.randint(ks[1], (B, S, 8), 0, PINYIN_VOCAB, dtype=jnp.int32).astype(jnp.int64)
    inp["glyph_ids"] = jax.random.randint(ks[2], (B, S), 0, GLYPH_VOCAB, dtype=jnp.int32).astype(jnp.int64)
    inp["pos_ids"] = jax.random.randint(ks[3], (B, S), 0, TAG_SIZE, dtype=jnp.int32).astype(jnp.int64)
    inp["pos_table"] = jax.random.normal(ks[4], (MAX_POS, HIDDEN), dtype=jnp.float32) * 0.02
    inp["glyph_table"] = jax.random.normal(ks[5], (GLYPH_VOCAB, GLYPH_DIM), dtype=jnp.float32) * 0.02
    inp["pinyin_char_table"] = jax.random.normal(ks[6], (PINYIN_VOCAB, PINYIN_EMB), dtype=jnp.float32) * 0.02
    inp["pinyin_conv_w"] = jax.random.normal(ks[7], (PINYIN_OUT, PINYIN_EMB, 2), dtype=jnp.float32) * 0.02
    inp["pinyin_conv_b"] = jnp.zeros((PINYIN_OUT,), dtype=jnp.float32)
    bound = (3.0 / TAG_DIM) ** 0.5
    tag = jax.random.uniform(ks[8], (TAG_SIZE, TAG_DIM), minval=-bound, maxval=bound, dtype=jnp.float32)
    inp["tag_table"] = tag.at[0].set(0.0)
    in_dim = HIDDEN + PINYIN_OUT + GLYPH_DIM + TAG_DIM
    inp["fc_w"] = jax.random.normal(ks[9], (HIDDEN, in_dim), dtype=jnp.float32) * 0.02
    inp["fc_b"] = jnp.zeros((HIDDEN,), dtype=jnp.float32)
    inp["ln_g"] = jnp.ones((HIDDEN,), dtype=jnp.float32)
    inp["ln_b"] = jnp.zeros((HIDDEN,), dtype=jnp.float32)
    return inp


def _pinyin_embed(pinyin_ids, char_table, conv_w, conv_b):
    # ChineseBERT PinyinEmbedding: char embedding -> Conv1d(k=2) -> max-pool over length
    B, S, L = pinyin_ids.shape
    emb = jnp.take(char_table, pinyin_ids.reshape(B * S, L), axis=0)  # [N, 8, E]
    win = jnp.stack([emb[:, :-1, :], emb[:, 1:, :]], axis=-1)  # [N, 7, E, 2]
    out = jnp.einsum('ntek,oek->nto', win, conv_w) + conv_b  # [N, 7, O]
    out = jnp.max(out, axis=1)  # [N, O]
    return out.reshape(B, S, PINYIN_OUT)


def _layer_norm(x, g, b):
    mu = jnp.mean(x, axis=-1, keepdims=True)
    var = jnp.mean((x - mu) ** 2, axis=-1, keepdims=True)
    return (x - mu) / jnp.sqrt(var + EPS) * g + b


def reference(word_embeddings, pinyin_ids, glyph_ids, pos_ids, pos_table, glyph_table,
              pinyin_char_table, pinyin_conv_w, pinyin_conv_b, tag_table, fc_w, fc_b, ln_g, ln_b):
    S = pinyin_ids.shape[1]
    pinyin_embeddings = _pinyin_embed(pinyin_ids, pinyin_char_table, pinyin_conv_w, pinyin_conv_b)
    glyph_embeddings = jnp.take(glyph_table, glyph_ids, axis=0)  # [B, S, 576]
    pos_tag_embeddings = jnp.take(tag_table, pos_ids, axis=0)  # [B, S, 64]
    concat = jnp.concatenate([word_embeddings, pinyin_embeddings, glyph_embeddings, pos_tag_embeddings], axis=2)
    fusion_embed = concat @ fc_w.T + fc_b  # [B, S, 768]
    position_embeddings = jnp.take(pos_table, jnp.arange(S), axis=0)[None, :, :]
    _ = fusion_embed + position_embeddings  # computed then overwritten in original forward
    embeddings = _layer_norm(fusion_embed, ln_g, ln_b)
    return embeddings  # dropout is identity in eval

if __name__ == "__main__":
    import jax
    _d = setup_inputs()
    print(jax.jit(kernel)(*tuple(_d.values())))

</pallas_src>

<mosaic_0001>
#map = affine_map<(d0, d1) -> (0, 0, 0)>
#map1 = affine_map<(d0, d1) -> (0, 0)>
module attributes {stable_mosaic.version = 14 : i64} {
  func.func @k(%arg0: i32, %arg1: i32, %arg2: memref<32x4x64xi32, #tpu.memory_space<hbm>>, %arg3: memref<23236x576xf32, #tpu.memory_space<hbm>>, %arg4: memref<23236x128xf32, #tpu.memory_space<hbm>>, %arg5: memref<8192x512xf32, #tpu.memory_space<hbm>>, %arg6: memref<8192x128xf32, #tpu.memory_space<hbm>>, %arg7: memref<4x64xi32, #tpu.memory_space<vmem>>, %arg8: memref<2x64x512xf32, #tpu.memory_space<vmem>>, %arg9: memref<2x64x128xf32, #tpu.memory_space<vmem>>, %arg10: memref<!tpu.dma_semaphore, #tpu.memory_space<semaphore_mem>>, %arg11: memref<!tpu.dma_semaphore, #tpu.memory_space<semaphore_mem>>) attributes {dimension_semantics = [#tpu.dimension_semantics<core_parallel>, #tpu.dimension_semantics<subcore_parallel>], iteration_bounds = array<i64: 2, 16>, scalar_prefetch = 0 : i64, scratch_operands = 5 : i64, tpu.core_type = #tpu.core_type<sc_vector_subcore>, window_params = [{transform_indices = #map}, {transform_indices = #map1}, {transform_indices = #map1}, {transform_indices = #map1}, {transform_indices = #map1}]} {
    %mul3A = arith.constant 2 : i32
    %mul3A_0 = arith.muli %arg1, %mul3A : i32
    %add3A = arith.addi %mul3A_0, %arg0 : i32
    "tpu.region"() ({
      %run_scoped3A_214 = tpu.sem_alloc : memref<!tpu.dma_semaphore, #tpu.memory_space<semaphore_mem>>
      %dma_start3A_215 = arith.constant 0 : i32
      %dma_start3A_216 = arith.constant 0 : i32
      %dma_start3A_217 = tpu.memref_slice %arg2[%add3A, %dma_start3A_215, %dma_start3A_216] : memref<32x4x64xi32, #tpu.memory_space<hbm>> -> memref<1x4x64xi32, #tpu.memory_space<hbm>>
      %dma_start3A_218 = tpu.memref_squeeze %dma_start3A_217 : memref<1x4x64xi32, #tpu.memory_space<hbm>> -> memref<4x64xi32, #tpu.memory_space<hbm>>
      %dma_start3A_219 = arith.constant 0 : i32
      %dma_start3A_220 = arith.constant 0 : i32
      %dma_start3A_221 = tpu.memref_slice %arg2[%add3A, %dma_start3A_219, %dma_start3A_220] : memref<32x4x64xi32, #tpu.memory_space<hbm>> -> memref<1x4x64xi32, #tpu.memory_space<hbm>>
      %dma_start3A_222 = tpu.memref_squeeze %dma_start3A_221 : memref<1x4x64xi32, #tpu.memory_space<hbm>> -> memref<4x64xi32, #tpu.memory_space<hbm>>
      tpu.enqueue_dma source(%dma_start3A_222 : memref<4x64xi32, #tpu.memory_space<hbm>>) target(%arg7 : memref<4x64xi32, #tpu.memory_space<vmem>>) target_semaphore(%run_scoped3A_214 : memref<!tpu.dma_semaphore, #tpu.memory_space<semaphore_mem>>)
      %dma_wait3A_223 = arith.constant 0 : i32
      %dma_wait3A_224 = arith.constant 0 : i32
      %dma_wait3A_225 = tpu.memref_slice %arg2[%add3A, %dma_wait3A_223, %dma_wait3A_224] : memref<32x4x64xi32, #tpu.memory_space<hbm>> -> memref<1x4x64xi32, #tpu.memory_space<hbm>>
      %dma_wait3A_226 = tpu.memref_squeeze %dma_wait3A_225 : memref<1x4x64xi32, #tpu.memory_space<hbm>> -> memref<4x64xi32, #tpu.memory_space<hbm>>
      %dma_wait3A_227 = arith.constant 0 : i32
      %dma_wait3A_228 = arith.constant 0 : i32
      %dma_wait3A_229 = tpu.memref_slice %arg2[%add3A, %dma_wait3A_227, %dma_wait3A_228] : memref<32x4x64xi32, #tpu.memory_space<hbm>> -> memref<1x4x64xi32, #tpu.memory_space<hbm>>
      %dma_wait3A_230 = tpu.memref_squeeze %dma_wait3A_229 : memref<1x4x64xi32, #tpu.memory_space<hbm>> -> memref<4x64xi32, #tpu.memory_space<hbm>>
      tpu.wait_dma2 semaphore(%run_scoped3A_214 : memref<!tpu.dma_semaphore, #tpu.memory_space<semaphore_mem>>) src(%dma_wait3A_230 : memref<4x64xi32, #tpu.memory_space<hbm>>) dst(%arg7 : memref<4x64xi32, #tpu.memory_space<vmem>>)
      tpu.yield
    }) : () -> ()
    %dma_start3A = arith.constant 0 : i32
    %dma_start3A_1 = arith.constant 0 : i32
    %dma_start3A_2 = arith.constant 0 : i32
    %dma_start3A_3 = arith.constant 0 : i32
    %dma_start3A_4 = tpu.memref_slice %arg8[%dma_start3A_1, %dma_start3A_2, %dma_start3A_3] : memref<2x64x512xf32, #tpu.memory_space<vmem>> -> memref<1x64x512xf32, #tpu.memory_space<vmem>>
    %dma_start3A_5 = tpu.memref_squeeze %dma_start3A_4 : memref<1x64x512xf32, #tpu.memory_space<vmem>> -> memref<64x512xf32, #tpu.memory_space<vmem>>
    %dma_start3A_6 = arith.constant 0 : i32
    %dma_start3A_7 = tpu.memref_slice %arg7[%dma_start3A, %dma_start3A_6] : memref<4x64xi32, #tpu.memory_space<vmem>> -> memref<1x64xi32, #tpu.memory_space<vmem>>
    %dma_start3A_8 = tpu.memref_squeeze %dma_start3A_7 : memref<1x64xi32, #tpu.memory_space<vmem>> -> memref<64xi32, #tpu.memory_space<vmem>>
    %dma_start3A_9 = arith.constant 0 : i32
    %dma_start3A_10 = arith.constant 0 : i32
    %dma_start3A_11 = tpu.memref_slice %arg3[%dma_start3A_9, %dma_start3A_10] : memref<23236x576xf32, #tpu.memory_space<hbm>> -> memref<23236x512xf32, #tpu.memory_space<hbm>>
    tpu.enqueue_indirect_dma source(%dma_start3A_11 : memref<23236x512xf32, #tpu.memory_space<hbm>>) target(%dma_start3A_5 : memref<64x512xf32, #tpu.memory_space<vmem>>) offsets(%dma_start3A_8 : memref<64xi32, #tpu.memory_space<vmem>>) semaphore(%arg10 : memref<!tpu.dma_semaphore, #tpu.memory_space<semaphore_mem>>)
    %dma_start3A_12 = arith.constant 0 : i32
    %dma_start3A_13 = arith.constant 0 : i32
    %dma_start3A_14 = arith.constant 0 : i32
    %dma_start3A_15 = arith.constant 0 : i32
    %dma_start3A_16 = tpu.memref_slice %arg9[%dma_start3A_13, %dma_start3A_14, %dma_start3A_15] : memref<2x64x128xf32, #tpu.memory_space<vmem>> -> memref<1x64x128xf32, #tpu.memory_space<vmem>>
    %dma_start3A_17 = tpu.memref_squeeze %dma_start3A_16 : memref<1x64x128xf32, #tpu.memory_space<vmem>> -> memref<64x128xf32, #tpu.memory_space<vmem>>
    %dma_start3A_18 = arith.constant 0 : i32
    %dma_start3A_19 = tpu.memref_slice %arg7[%dma_start3A_12, %dma_start3A_18] : memref<4x64xi32, #tpu.memory_space<vmem>> -> memref<1x64xi32, #tpu.memory_space<vmem>>
    %dma_start3A_20 = tpu.memref_squeeze %dma_start3A_19 : memref<1x64xi32, #tpu.memory_space<vmem>> -> memref<64xi32, #tpu.memory_space<vmem>>
    %dma_start3A_21 = arith.constant 0 : i32
    %dma_start3A_22 = arith.constant 0 : i32
    %dma_start3A_23 = tpu.memref_slice %arg4[%dma_start3A_21, %dma_start3A_22] : memref<23236x128xf32, #tpu.memory_space<hbm>> -> memref<23236x128xf32, #tpu.memory_space<hbm>>
    tpu.enqueue_indirect_dma source(%dma_start3A_23 : memref<23236x128xf32, #tpu.memory_space<hbm>>) target(%dma_start3A_17 : memref<64x128xf32, #tpu.memory_space<vmem>>) offsets(%dma_start3A_20 : memref<64xi32, #tpu.memory_space<vmem>>) semaphore(%arg11 : memref<!tpu.dma_semaphore, #tpu.memory_space<semaphore_mem>>)
    %dma_wait3A = arith.constant 0 : i32
    %dma_wait3A_24 = arith.constant 0 : i32
    %dma_wait3A_25 = arith.constant 0 : i32
    %dma_wait3A_26 = arith.constant 0 : i32
    %dma_wait3A_27 = tpu.memref_slice %arg8[%dma_wait3A_24, %dma_wait3A_25, %dma_wait3A_26] : memref<2x64x512xf32, #tpu.memory_space<vmem>> -> memref<1x64x512xf32, #tpu.memory_space<vmem>>
    %dma_wait3A_28 = tpu.memref_squeeze %dma_wait3A_27 : memref<1x64x512xf32, #tpu.memory_space<vmem>> -> memref<64x512xf32, #tpu.memory_space<vmem>>
    %dma_wait3A_29 = arith.constant 0 : i32
    %dma_wait3A_30 = tpu.memref_slice %arg7[%dma_wait3A, %dma_wait3A_29] : memref<4x64xi32, #tpu.memory_space<vmem>> -> memref<1x64xi32, #tpu.memory_space<vmem>>
    %dma_wait3A_31 = tpu.memref_squeeze %dma_wait3A_30 : memref<1x64xi32, #tpu.memory_space<vmem>> -> memref<64xi32, #tpu.memory_space<vmem>>
    %dma_wait3A_32 = arith.constant 0 : i32
    %dma_wait3A_33 = arith.constant 0 : i32
    %dma_wait3A_34 = tpu.memref_slice %arg3[%dma_wait3A_32, %dma_wait3A_33] : memref<23236x576xf32, #tpu.memory_space<hbm>> -> memref<23236x512xf32, #tpu.memory_space<hbm>>
    tpu.wait_indirect_dma semaphore(%arg10 : memref<!tpu.dma_semaphore, #tpu.memory_space<semaphore_mem>>) src(%dma_wait3A_34 : memref<23236x512xf32, #tpu.memory_space<hbm>>) dst(%dma_wait3A_28 : memref<64x512xf32, #tpu.memory_space<vmem>>)
    %dma_wait3A_35 = arith.constant 0 : i32
    %dma_wait3A_36 = arith.constant 0 : i32
    %dma_wait3A_37 = arith.constant 0 : i32
    %dma_wait3A_38 = arith.constant 0 : i32
    %dma_wait3A_39 = tpu.memref_slice %arg9[%dma_wait3A_36, %dma_wait3A_37, %dma_wait3A_38] : memref<2x64x128xf32, #tpu.memory_space<vmem>> -> memref<1x64x128xf32, #tpu.memory_space<vmem>>
    %dma_wait3A_40 = tpu.memref_squeeze %dma_wait3A_39 : memref<1x64x128xf32, #tpu.memory_space<vmem>> -> memref<64x128xf32, #tpu.memory_space<vmem>>
    %dma_wait3A_41 = arith.constant 0 : i32
    %dma_wait3A_42 = tpu.memref_slice %arg7[%dma_wait3A_35, %dma_wait3A_41] : memref<4x64xi32, #tpu.memory_space<vmem>> -> memref<1x64xi32, #tpu.memory_space<vmem>>
    %dma_wait3A_43 = tpu.memref_squeeze %dma_wait3A_42 : memref<1x64xi32, #tpu.memory_space<vmem>> -> memref<64xi32, #tpu.memory_space<vmem>>
    %dma_wait3A_44 = arith.constant 0 : i32
    %dma_wait3A_45 = arith.constant 0 : i32
    %dma_wait3A_46 = tpu.memref_slice %arg4[%dma_wait3A_44, %dma_wait3A_45] : memref<23236x128xf32, #tpu.memory_space<hbm>> -> memref<23236x128xf32, #tpu.memory_space<hbm>>
    tpu.wait_indirect_dma semaphore(%arg11 : memref<!tpu.dma_semaphore, #tpu.memory_space<semaphore_mem>>) src(%dma_wait3A_46 : memref<23236x128xf32, #tpu.memory_space<hbm>>) dst(%dma_wait3A_40 : memref<64x128xf32, #tpu.memory_space<vmem>>)
    %dma_start3A_47 = arith.constant 1 : i32
    %dma_start3A_48 = arith.constant 1 : i32
    %dma_start3A_49 = arith.constant 0 : i32
    %dma_start3A_50 = arith.constant 0 : i32
    %dma_start3A_51 = tpu.memref_slice %arg8[%dma_start3A_48, %dma_start3A_49, %dma_start3A_50] : memref<2x64x512xf32, #tpu.memory_space<vmem>> -> memref<1x64x512xf32, #tpu.memory_space<vmem>>
    %dma_start3A_52 = tpu.memref_squeeze %dma_start3A_51 : memref<1x64x512xf32, #tpu.memory_space<vmem>> -> memref<64x512xf32, #tpu.memory_space<vmem>>
    %dma_start3A_53 = arith.constant 0 : i32
    %dma_start3A_54 = tpu.memref_slice %arg7[%dma_start3A_47, %dma_start3A_53] : memref<4x64xi32, #tpu.memory_space<vmem>> -> memref<1x64xi32, #tpu.memory_space<vmem>>
    %dma_start3A_55 = tpu.memref_squeeze %dma_start3A_54 : memref<1x64xi32, #tpu.memory_space<vmem>> -> memref<64xi32, #tpu.memory_space<vmem>>
    %dma_start3A_56 = arith.constant 0 : i32
    %dma_start3A_57 = arith.constant 0 : i32
    %dma_start3A_58 = tpu.memref_slice %arg3[%dma_start3A_56, %dma_start3A_57] : memref<23236x576xf32, #tpu.memory_space<hbm>> -> memref<23236x512xf32, #tpu.memory_space<hbm>>
    tpu.enqueue_indirect_dma source(%dma_start3A_58 : memref<23236x512xf32, #tpu.memory_space<hbm>>) target(%dma_start3A_52 : memref<64x512xf32, #tpu.memory_space<vmem>>) offsets(%dma_start3A_55 : memref<64xi32, #tpu.memory_space<vmem>>) semaphore(%arg10 : memref<!tpu.dma_semaphore, #tpu.memory_space<semaphore_mem>>)
    %dma_start3A_59 = arith.constant 1 : i32
    %dma_start3A_60 = arith.constant 1 : i32
    %dma_start3A_61 = arith.constant 0 : i32
    %dma_start3A_62 = arith.constant 0 : i32
    %dma_start3A_63 = tpu.memref_slice %arg9[%dma_start3A_60, %dma_start3A_61, %dma_start3A_62] : memref<2x64x128xf32, #tpu.memory_space<vmem>> -> memref<1x64x128xf32, #tpu.memory_space<vmem>>
    %dma_start3A_64 = tpu.memref_squeeze %dma_start3A_63 : memref<1x64x128xf32, #tpu.memory_space<vmem>> -> memref<64x128xf32, #tpu.memory_space<vmem>>
    %dma_start3A_65 = arith.constant 0 : i32
    %dma_start3A_66 = tpu.memref_slice %arg7[%dma_start3A_59, %dma_start3A_65] : memref<4x64xi32, #tpu.memory_space<vmem>> -> memref<1x64xi32, #tpu.memory_space<vmem>>
    %dma_start3A_67 = tpu.memref_squeeze %dma_start3A_66 : memref<1x64xi32, #tpu.memory_space<vmem>> -> memref<64xi32, #tpu.memory_space<vmem>>
    %dma_start3A_68 = arith.constant 0 : i32
    %dma_start3A_69 = arith.constant 0 : i32
    %dma_start3A_70 = tpu.memref_slice %arg4[%dma_start3A_68, %dma_start3A_69] : memref<23236x128xf32, #tpu.memory_space<hbm>> -> memref<23236x128xf32, #tpu.memory_space<hbm>>
    tpu.enqueue_indirect_dma source(%dma_start3A_70 : memref<23236x128xf32, #tpu.memory_space<hbm>>) target(%dma_start3A_64 : memref<64x128xf32, #tpu.memory_space<vmem>>) offsets(%dma_start3A_67 : memref<64xi32, #tpu.memory_space<vmem>>) semaphore(%arg11 : memref<!tpu.dma_semaphore, #tpu.memory_space<semaphore_mem>>)
    %mul3A_71 = arith.constant 256 : i32
    %mul3A_72 = arith.muli %add3A, %mul3A_71 : i32
    %add3A_73 = arith.constant 0 : i32
    %add3A_74 = arith.addi %mul3A_72, %add3A_73 : i32
    %run_scoped3A = arith.constant 0 : i32
    "tpu.region"() ({
      %run_scoped3A_214 = tpu.sem_alloc : memref<!tpu.dma_semaphore, #tpu.memory_space<semaphore_mem>>
      %dma_start3A_215 = arith.constant 0 : i32
      %dma_start3A_216 = arith.constant 0 : i32
      %dma_start3A_217 = tpu.memref_slice %arg8[%run_scoped3A, %dma_start3A_215, %dma_start3A_216] : memref<2x64x512xf32, #tpu.memory_space<vmem>> -> memref<1x64x512xf32, #tpu.memory_space<vmem>>
      %dma_start3A_218 = tpu.memref_squeeze %dma_start3A_217 : memref<1x64x512xf32, #tpu.memory_space<vmem>> -> memref<64x512xf32, #tpu.memory_space<vmem>>
      %dma_start3A_219 = arith.constant 0 : i32
      %dma_start3A_220 = tpu.memref_slice %arg5[%add3A_74, %dma_start3A_219] : memref<8192x512xf32, #tpu.memory_space<hbm>> -> memref<64x512xf32, #tpu.memory_space<hbm>>
      %dma_start3A_221 = arith.constant 0 : i32
      %dma_start3A_222 = tpu.memref_slice %arg5[%add3A_74, %dma_start3A_221] : memref<8192x512xf32, #tpu.memory_space<hbm>> -> memref<64x512xf32, #tpu.memory_space<hbm>>
      %dma_start3A_223 = arith.constant 0 : i32
      %dma_start3A_224 = arith.constant 0 : i32
      %dma_start3A_225 = tpu.memref_slice %arg8[%run_scoped3A, %dma_start3A_223, %dma_start3A_224] : memref<2x64x512xf32, #tpu.memory_space<vmem>> -> memref<1x64x512xf32, #tpu.memory_space<vmem>>
      %dma_start3A_226 = tpu.memref_squeeze %dma_start3A_225 : memref<1x64x512xf32, #tpu.memory_space<vmem>> -> memref<64x512xf32, #tpu.memory_space<vmem>>
      tpu.enqueue_dma source(%dma_start3A_226 : memref<64x512xf32, #tpu.memory_space<vmem>>) target(%dma_start3A_222 : memref<64x512xf32, #tpu.memory_space<hbm>>) target_semaphore(%run_scoped3A_214 : memref<!tpu.dma_semaphore, #tpu.memory_space<semaphore_mem>>)
      %dma_wait3A_227 = arith.constant 0 : i32
      %dma_wait3A_228 = arith.constant 0 : i32
      %dma_wait3A_229 = tpu.memref_slice %arg8[%run_scoped3A, %dma_wait3A_227, %dma_wait3A_228] : memref<2x64x512xf32, #tpu.memory_space<vmem>> -> memref<1x64x512xf32, #tpu.memory_space<vmem>>
      %dma_wait3A_230 = tpu.memref_squeeze %dma_wait3A_229 : memref<1x64x512xf32, #tpu.memory_space<vmem>> -> memref<64x512xf32, #tpu.memory_space<vmem>>
      %dma_wait3A_231 = arith.constant 0 : i32
      %dma_wait3A_232 = tpu.memref_slice %arg5[%add3A_74, %dma_wait3A_231] : memref<8192x512xf32, #tpu.memory_space<hbm>> -> memref<64x512xf32, #tpu.memory_space<hbm>>
      %dma_wait3A_233 = arith.constant 0 : i32
      %dma_wait3A_234 = tpu.memref_slice %arg5[%add3A_74, %dma_wait3A_233] : memref<8192x512xf32, #tpu.memory_space<hbm>> -> memref<64x512xf32, #tpu.memory_space<hbm>>
      %dma_wait3A_235 = arith.constant 0 : i32
      %dma_wait3A_236 = arith.constant 0 : i32
      %dma_wait3A_237 = tpu.memref_slice %arg8[%run_scoped3A, %dma_wait3A_235, %dma_wait3A_236] : memref<2x64x512xf32, #tpu.memory_space<vmem>> -> memref<1x64x512xf32, #tpu.memory_space<vmem>>
      %dma_wait3A_238 = tpu.memref_squeeze %dma_wait3A_237 : memref<1x64x512xf32, #tpu.memory_space<vmem>> -> memref<64x512xf32, #tpu.memory_space<vmem>>
      tpu.wait_dma2 semaphore(%run_scoped3A_214 : memref<!tpu.dma_semaphore, #tpu.memory_space<semaphore_mem>>) src(%dma_wait3A_238 : memref<64x512xf32, #tpu.memory_space<vmem>>) dst(%dma_wait3A_234 : memref<64x512xf32, #tpu.memory_space<hbm>>)
      tpu.yield
    }) : () -> ()
    %run_scoped3A_75 = arith.constant 0 : i32
    "tpu.region"() ({
      %run_scoped3A_214 = tpu.sem_alloc : memref<!tpu.dma_semaphore, #tpu.memory_space<semaphore_mem>>
      %dma_start3A_215 = arith.constant 0 : i32
      %dma_start3A_216 = arith.constant 0 : i32
      %dma_start3A_217 = tpu.memref_slice %arg9[%run_scoped3A_75, %dma_start3A_215, %dma_start3A_216] : memref<2x64x128xf32, #tpu.memory_space<vmem>> -> memref<1x64x128xf32, #tpu.memory_space<vmem>>
      %dma_start3A_218 = tpu.memref_squeeze %dma_start3A_217 : memref<1x64x128xf32, #tpu.memory_space<vmem>> -> memref<64x128xf32, #tpu.memory_space<vmem>>
      %dma_start3A_219 = arith.constant 0 : i32
      %dma_start3A_220 = tpu.memref_slice %arg6[%add3A_74, %dma_start3A_219] : memref<8192x128xf32, #tpu.memory_space<hbm>> -> memref<64x128xf32, #tpu.memory_space<hbm>>
      %dma_start3A_221 = arith.constant 0 : i32
      %dma_start3A_222 = tpu.memref_slice %arg6[%add3A_74, %dma_start3A_221] : memref<8192x128xf32, #tpu.memory_space<hbm>> -> memref<64x128xf32, #tpu.memory_space<hbm>>
      %dma_start3A_223 = arith.constant 0 : i32
      %dma_start3A_224 = arith.constant 0 : i32
      %dma_start3A_225 = tpu.memref_slice %arg9[%run_scoped3A_75, %dma_start3A_223, %dma_start3A_224] : memref<2x64x128xf32, #tpu.memory_space<vmem>> -> memref<1x64x128xf32, #tpu.memory_space<vmem>>
      %dma_start3A_226 = tpu.memref_squeeze %dma_start3A_225 : memref<1x64x128xf32, #tpu.memory_space<vmem>> -> memref<64x128xf32, #tpu.memory_space<vmem>>
      tpu.enqueue_dma source(%dma_start3A_226 : memref<64x128xf32, #tpu.memory_space<vmem>>) target(%dma_start3A_222 : memref<64x128xf32, #tpu.memory_space<hbm>>) target_semaphore(%run_scoped3A_214 : memref<!tpu.dma_semaphore, #tpu.memory_space<semaphore_mem>>)
      %dma_wait3A_227 = arith.constant 0 : i32
      %dma_wait3A_228 = arith.constant 0 : i32
      %dma_wait3A_229 = tpu.memref_slice %arg9[%run_scoped3A_75, %dma_wait3A_227, %dma_wait3A_228] : memref<2x64x128xf32, #tpu.memory_space<vmem>> -> memref<1x64x128xf32, #tpu.memory_space<vmem>>
      %dma_wait3A_230 = tpu.memref_squeeze %dma_wait3A_229 : memref<1x64x128xf32, #tpu.memory_space<vmem>> -> memref<64x128xf32, #tpu.memory_space<vmem>>
      %dma_wait3A_231 = arith.constant 0 : i32
      %dma_wait3A_232 = tpu.memref_slice %arg6[%add3A_74, %dma_wait3A_231] : memref<8192x128xf32, #tpu.memory_space<hbm>> -> memref<64x128xf32, #tpu.memory_space<hbm>>
      %dma_wait3A_233 = arith.constant 0 : i32
      %dma_wait3A_234 = tpu.memref_slice %arg6[%add3A_74, %dma_wait3A_233] : memref<8192x128xf32, #tpu.memory_space<hbm>> -> memref<64x128xf32, #tpu.memory_space<hbm>>
      %dma_wait3A_235 = arith.constant 0 : i32
      %dma_wait3A_236 = arith.constant 0 : i32
      %dma_wait3A_237 = tpu.memref_slice %arg9[%run_scoped3A_75, %dma_wait3A_235, %dma_wait3A_236] : memref<2x64x128xf32, #tpu.memory_space<vmem>> -> memref<1x64x128xf32, #tpu.memory_space<vmem>>
      %dma_wait3A_238 = tpu.memref_squeeze %dma_wait3A_237 : memref<1x64x128xf32, #tpu.memory_space<vmem>> -> memref<64x128xf32, #tpu.memory_space<vmem>>
      tpu.wait_dma2 semaphore(%run_scoped3A_214 : memref<!tpu.dma_semaphore, #tpu.memory_space<semaphore_mem>>) src(%dma_wait3A_238 : memref<64x128xf32, #tpu.memory_space<vmem>>) dst(%dma_wait3A_234 : memref<64x128xf32, #tpu.memory_space<hbm>>)
      tpu.yield
    }) : () -> ()
    %dma_wait3A_76 = arith.constant 1 : i32
    %dma_wait3A_77 = arith.constant 1 : i32
    %dma_wait3A_78 = arith.constant 0 : i32
    %dma_wait3A_79 = arith.constant 0 : i32
    %dma_wait3A_80 = tpu.memref_slice %arg8[%dma_wait3A_77, %dma_wait3A_78, %dma_wait3A_79] : memref<2x64x512xf32, #tpu.memory_space<vmem>> -> memref<1x64x512xf32, #tpu.memory_space<vmem>>
    %dma_wait3A_81 = tpu.memref_squeeze %dma_wait3A_80 : memref<1x64x512xf32, #tpu.memory_space<vmem>> -> memref<64x512xf32, #tpu.memory_space<vmem>>
    %dma_wait3A_82 = arith.constant 0 : i32
    %dma_wait3A_83 = tpu.memref_slice %arg7[%dma_wait3A_76, %dma_wait3A_82] : memref<4x64xi32, #tpu.memory_space<vmem>> -> memref<1x64xi32, #tpu.memory_space<vmem>>
    %dma_wait3A_84 = tpu.memref_squeeze %dma_wait3A_83 : memref<1x64xi32, #tpu.memory_space<vmem>> -> memref<64xi32, #tpu.memory_space<vmem>>
    %dma_wait3A_85 = arith.constant 0 : i32
    %dma_wait3A_86 = arith.constant 0 : i32
    %dma_wait3A_87 = tpu.memref_slice %arg3[%dma_wait3A_85, %dma_wait3A_86] : memref<23236x576xf32, #tpu.memory_space<hbm>> -> memref<23236x512xf32, #tpu.memory_space<hbm>>
    tpu.wait_indirect_dma semaphore(%arg10 : memref<!tpu.dma_semaphore, #tpu.memory_space<semaphore_mem>>) src(%dma_wait3A_87 : memref<23236x512xf32, #tpu.memory_space<hbm>>) dst(%dma_wait3A_81 : memref<64x512xf32, #tpu.memory_space<vmem>>)
    %dma_wait3A_88 = arith.constant 1 : i32
    %dma_wait3A_89 = arith.constant 1 : i32
    %dma_wait3A_90 = arith.constant 0 : i32
    %dma_wait3A_91 = arith.constant 0 : i32
    %dma_wait3A_92 = tpu.memref_slice %arg9[%dma_wait3A_89, %dma_wait3A_90, %dma_wait3A_91] : memref<2x64x128xf32, #tpu.memory_space<vmem>> -> memref<1x64x128xf32, #tpu.memory_space<vmem>>
    %dma_wait3A_93 = tpu.memref_squeeze %dma_wait3A_92 : memref<1x64x128xf32, #tpu.memory_space<vmem>> -> memref<64x128xf32, #tpu.memory_space<vmem>>
    %dma_wait3A_94 = arith.constant 0 : i32
    %dma_wait3A_95 = tpu.memref_slice %arg7[%dma_wait3A_88, %dma_wait3A_94] : memref<4x64xi32, #tpu.memory_space<vmem>> -> memref<1x64xi32, #tpu.memory_space<vmem>>
    %dma_wait3A_96 = tpu.memref_squeeze %dma_wait3A_95 : memref<1x64xi32, #tpu.memory_space<vmem>> -> memref<64xi32, #tpu.memory_space<vmem>>
    %dma_wait3A_97 = arith.constant 0 : i32
    %dma_wait3A_98 = arith.constant 0 : i32
    %dma_wait3A_99 = tpu.memref_slice %arg4[%dma_wait3A_97, %dma_wait3A_98] : memref<23236x128xf32, #tpu.memory_space<hbm>> -> memref<23236x128xf32, #tpu.memory_space<hbm>>
    tpu.wait_indirect_dma semaphore(%arg11 : memref<!tpu.dma_semaphore, #tpu.memory_space<semaphore_mem>>) src(%dma_wait3A_99 : memref<23236x128xf32, #tpu.memory_space<hbm>>) dst(%dma_wait3A_93 : memref<64x128xf32, #tpu.memory_space<vmem>>)
    %dma_start3A_100 = arith.constant 2 : i32
    %dma_start3A_101 = arith.constant 0 : i32
    %dma_start3A_102 = arith.constant 0 : i32
    %dma_start3A_103 = arith.constant 0 : i32
    %dma_start3A_104 = tpu.memref_slice %arg8[%dma_start3A_101, %dma_start3A_102, %dma_start3A_103] : memref<2x64x512xf32, #tpu.memory_space<vmem>> -> memref<1x64x512xf32, #tpu.memory_space<vmem>>
    %dma_start3A_105 = tpu.memref_squeeze %dma_start3A_104 : memref<1x64x512xf32, #tpu.memory_space<vmem>> -> memref<64x512xf32, #tpu.memory_space<vmem>>
    %dma_start3A_106 = arith.constant 0 : i32
    %dma_start3A_107 = tpu.memref_slice %arg7[%dma_start3A_100, %dma_start3A_106] : memref<4x64xi32, #tpu.memory_space<vmem>> -> memref<1x64xi32, #tpu.memory_space<vmem>>
    %dma_start3A_108 = tpu.memref_squeeze %dma_start3A_107 : memref<1x64xi32, #tpu.memory_space<vmem>> -> memref<64xi32, #tpu.memory_space<vmem>>
    %dma_start3A_109 = arith.constant 0 : i32
    %dma_start3A_110 = arith.constant 0 : i32
    %dma_start3A_111 = tpu.memref_slice %arg3[%dma_start3A_109, %dma_start3A_110] : memref<23236x576xf32, #tpu.memory_space<hbm>> -> memref<23236x512xf32, #tpu.memory_space<hbm>>
    tpu.enqueue_indirect_dma source(%dma_start3A_111 : memref<23236x512xf32, #tpu.memory_space<hbm>>) target(%dma_start3A_105 : memref<64x512xf32, #tpu.memory_space<vmem>>) offsets(%dma_start3A_108 : memref<64xi32, #tpu.memory_space<vmem>>) semaphore(%arg10 : memref<!tpu.dma_semaphore, #tpu.memory_space<semaphore_mem>>)
    %dma_start3A_112 = arith.constant 2 : i32
    %dma_start3A_113 = arith.constant 0 : i32
    %dma_start3A_114 = arith.constant 0 : i32
    %dma_start3A_115 = arith.constant 0 : i32
    %dma_start3A_116 = tpu.memref_slice %arg9[%dma_start3A_113, %dma_start3A_114, %dma_start3A_115] : memref<2x64x128xf32, #tpu.memory_space<vmem>> -> memref<1x64x128xf32, #tpu.memory_space<vmem>>
    %dma_start3A_117 = tpu.memref_squeeze %dma_start3A_116 : memref<1x64x128xf32, #tpu.memory_space<vmem>> -> memref<64x128xf32, #tpu.memory_space<vmem>>
    %dma_start3A_118 = arith.constant 0 : i32
    %dma_start3A_119 = tpu.memref_slice %arg7[%dma_start3A_112, %dma_start3A_118] : memref<4x64xi32, #tpu.memory_space<vmem>> -> memref<1x64xi32, #tpu.memory_space<vmem>>
    %dma_start3A_120 = tpu.memref_squeeze %dma_start3A_119 : memref<1x64xi32, #tpu.memory_space<vmem>> -> memref<64xi32, #tpu.memory_space<vmem>>
    %dma_start3A_121 = arith.constant 0 : i32
    %dma_start3A_122 = arith.constant 0 : i32
    %dma_start3A_123 = tpu.memref_slice %arg4[%dma_start3A_121, %dma_start3A_122] : memref<23236x128xf32, #tpu.memory_space<hbm>> -> memref<23236x128xf32, #tpu.memory_space<hbm>>
    tpu.enqueue_indirect_dma source(%dma_start3A_123 : memref<23236x128xf32, #tpu.memory_space<hbm>>) target(%dma_start3A_117 : memref<64x128xf32, #tpu.memory_space<vmem>>) offsets(%dma_start3A_120 : memref<64xi32, #tpu.memory_space<vmem>>) semaphore(%arg11 : memref<!tpu.dma_semaphore, #tpu.memory_space<semaphore_mem>>)
    %mul3A_124 = arith.constant 256 : i32
    %mul3A_125 = arith.muli %add3A, %mul3A_124 : i32
    %add3A_126 = arith.constant 64 : i32
    %add3A_127 = arith.addi %mul3A_125, %add3A_126 : i32
    %run_scoped3A_128 = arith.constant 1 : i32
    "tpu.region"() ({
      %run_scoped3A_214 = tpu.sem_alloc : memref<!tpu.dma_semaphore, #tpu.memory_space<semaphore_mem>>
      %dma_start3A_215 = arith.constant 0 : i32
      %dma_start3A_216 = arith.constant 0 : i32
      %dma_start3A_217 = tpu.memref_slice %arg8[%run_scoped3A_128, %dma_start3A_215, %dma_start3A_216] : memref<2x64x512xf32, #tpu.memory_space<vmem>> -> memref<1x64x512xf32, #tpu.memory_space<vmem>>
      %dma_start3A_218 = tpu.memref_squeeze %dma_start3A_217 : memref<1x64x512xf32, #tpu.memory_space<vmem>> -> memref<64x512xf32, #tpu.memory_space<vmem>>
      %dma_start3A_219 = arith.constant 0 : i32
      %dma_start3A_220 = tpu.memref_slice %arg5[%add3A_127, %dma_start3A_219] : memref<8192x512xf32, #tpu.memory_space<hbm>> -> memref<64x512xf32, #tpu.memory_space<hbm>>
      %dma_start3A_221 = arith.constant 0 : i32
      %dma_start3A_222 = tpu.memref_slice %arg5[%add3A_127, %dma_start3A_221] : memref<8192x512xf32, #tpu.memory_space<hbm>> -> memref<64x512xf32, #tpu.memory_space<hbm>>
      %dma_start3A_223 = arith.constant 0 : i32
      %dma_start3A_224 = arith.constant 0 : i32
      %dma_start3A_225 = tpu.memref_slice %arg8[%run_scoped3A_128, %dma_start3A_223, %dma_start3A_224] : memref<2x64x512xf32, #tpu.memory_space<vmem>> -> memref<1x64x512xf32, #tpu.memory_space<vmem>>
      %dma_start3A_226 = tpu.memref_squeeze %dma_start3A_225 : memref<1x64x512xf32, #tpu.memory_space<vmem>> -> memref<64x512xf32, #tpu.memory_space<vmem>>
      tpu.enqueue_dma source(%dma_start3A_226 : memref<64x512xf32, #tpu.memory_space<vmem>>) target(%dma_start3A_222 : memref<64x512xf32, #tpu.memory_space<hbm>>) target_semaphore(%run_scoped3A_214 : memref<!tpu.dma_semaphore, #tpu.memory_space<semaphore_mem>>)
      %dma_wait3A_227 = arith.constant 0 : i32
      %dma_wait3A_228 = arith.constant 0 : i32
      %dma_wait3A_229 = tpu.memref_slice %arg8[%run_scoped3A_128, %dma_wait3A_227, %dma_wait3A_228] : memref<2x64x512xf32, #tpu.memory_space<vmem>> -> memref<1x64x512xf32, #tpu.memory_space<vmem>>
      %dma_wait3A_230 = tpu.memref_squeeze %dma_wait3A_229 : memref<1x64x512xf32, #tpu.memory_space<vmem>> -> memref<64x512xf32, #tpu.memory_space<vmem>>
      %dma_wait3A_231 = arith.constant 0 : i32
      %dma_wait3A_232 = tpu.memref_slice %arg5[%add3A_127, %dma_wait3A_231] : memref<8192x512xf32, #tpu.memory_space<hbm>> -> memref<64x512xf32, #tpu.memory_space<hbm>>
      %dma_wait3A_233 = arith.constant 0 : i32
      %dma_wait3A_234 = tpu.memref_slice %arg5[%add3A_127, %dma_wait3A_233] : memref<8192x512xf32, #tpu.memory_space<hbm>> -> memref<64x512xf32, #tpu.memory_space<hbm>>
      %dma_wait3A_235 = arith.constant 0 : i32
      %dma_wait3A_236 = arith.constant 0 : i32
      %dma_wait3A_237 = tpu.memref_slice %arg8[%run_scoped3A_128, %dma_wait3A_235, %dma_wait3A_236] : memref<2x64x512xf32, #tpu.memory_space<vmem>> -> memref<1x64x512xf32, #tpu.memory_space<vmem>>
      %dma_wait3A_238 = tpu.memref_squeeze %dma_wait3A_237 : memref<1x64x512xf32, #tpu.memory_space<vmem>> -> memref<64x512xf32, #tpu.memory_space<vmem>>
      tpu.wait_dma2 semaphore(%run_scoped3A_214 : memref<!tpu.dma_semaphore, #tpu.memory_space<semaphore_mem>>) src(%dma_wait3A_238 : memref<64x512xf32, #tpu.memory_space<vmem>>) dst(%dma_wait3A_234 : memref<64x512xf32, #tpu.memory_space<hbm>>)
      tpu.yield
    }) : () -> ()
    %run_scoped3A_129 = arith.constant 1 : i32
    "tpu.region"() ({
      %run_scoped3A_214 = tpu.sem_alloc : memref<!tpu.dma_semaphore, #tpu.memory_space<semaphore_mem>>
      %dma_start3A_215 = arith.constant 0 : i32
      %dma_start3A_216 = arith.constant 0 : i32
      %dma_start3A_217 = tpu.memref_slice %arg9[%run_scoped3A_129, %dma_start3A_215, %dma_start3A_216] : memref<2x64x128xf32, #tpu.memory_space<vmem>> -> memref<1x64x128xf32, #tpu.memory_space<vmem>>
      %dma_start3A_218 = tpu.memref_squeeze %dma_start3A_217 : memref<1x64x128xf32, #tpu.memory_space<vmem>> -> memref<64x128xf32, #tpu.memory_space<vmem>>
      %dma_start3A_219 = arith.constant 0 : i32
      %dma_start3A_220 = tpu.memref_slice %arg6[%add3A_127, %dma_start3A_219] : memref<8192x128xf32, #tpu.memory_space<hbm>> -> memref<64x128xf32, #tpu.memory_space<hbm>>
      %dma_start3A_221 = arith.constant 0 : i32
      %dma_start3A_222 = tpu.memref_slice %arg6[%add3A_127, %dma_start3A_221] : memref<8192x128xf32, #tpu.memory_space<hbm>> -> memref<64x128xf32, #tpu.memory_space<hbm>>
      %dma_start3A_223 = arith.constant 0 : i32
      %dma_start3A_224 = arith.constant 0 : i32
      %dma_start3A_225 = tpu.memref_slice %arg9[%run_scoped3A_129, %dma_start3A_223, %dma_start3A_224] : memref<2x64x128xf32, #tpu.memory_space<vmem>> -> memref<1x64x128xf32, #tpu.memory_space<vmem>>
      %dma_start3A_226 = tpu.memref_squeeze %dma_start3A_225 : memref<1x64x128xf32, #tpu.memory_space<vmem>> -> memref<64x128xf32, #tpu.memory_space<vmem>>
      tpu.enqueue_dma source(%dma_start3A_226 : memref<64x128xf32, #tpu.memory_space<vmem>>) target(%dma_start3A_222 : memref<64x128xf32, #tpu.memory_space<hbm>>) target_semaphore(%run_scoped3A_214 : memref<!tpu.dma_semaphore, #tpu.memory_space<semaphore_mem>>)
      %dma_wait3A_227 = arith.constant 0 : i32
      %dma_wait3A_228 = arith.constant 0 : i32
      %dma_wait3A_229 = tpu.memref_slice %arg9[%run_scoped3A_129, %dma_wait3A_227, %dma_wait3A_228] : memref<2x64x128xf32, #tpu.memory_space<vmem>> -> memref<1x64x128xf32, #tpu.memory_space<vmem>>
      %dma_wait3A_230 = tpu.memref_squeeze %dma_wait3A_229 : memref<1x64x128xf32, #tpu.memory_space<vmem>> -> memref<64x128xf32, #tpu.memory_space<vmem>>
      %dma_wait3A_231 = arith.constant 0 : i32
      %dma_wait3A_232 = tpu.memref_slice %arg6[%add3A_127, %dma_wait3A_231] : memref<8192x128xf32, #tpu.memory_space<hbm>> -> memref<64x128xf32, #tpu.memory_space<hbm>>
      %dma_wait3A_233 = arith.constant 0 : i32
      %dma_wait3A_234 = tpu.memref_slice %arg6[%add3A_127, %dma_wait3A_233] : memref<8192x128xf32, #tpu.memory_space<hbm>> -> memref<64x128xf32, #tpu.memory_space<hbm>>
      %dma_wait3A_235 = arith.constant 0 : i32
      %dma_wait3A_236 = arith.constant 0 : i32
      %dma_wait3A_237 = tpu.memref_slice %arg9[%run_scoped3A_129, %dma_wait3A_235, %dma_wait3A_236] : memref<2x64x128xf32, #tpu.memory_space<vmem>> -> memref<1x64x128xf32, #tpu.memory_space<vmem>>
      %dma_wait3A_238 = tpu.memref_squeeze %dma_wait3A_237 : memref<1x64x128xf32, #tpu.memory_space<vmem>> -> memref<64x128xf32, #tpu.memory_space<vmem>>
      tpu.wait_dma2 semaphore(%run_scoped3A_214 : memref<!tpu.dma_semaphore, #tpu.memory_space<semaphore_mem>>) src(%dma_wait3A_238 : memref<64x128xf32, #tpu.memory_space<vmem>>) dst(%dma_wait3A_234 : memref<64x128xf32, #tpu.memory_space<hbm>>)
      tpu.yield
    }) : () -> ()
    %dma_wait3A_130 = arith.constant 2 : i32
    %dma_wait3A_131 = arith.constant 0 : i32
    %dma_wait3A_132 = arith.constant 0 : i32
    %dma_wait3A_133 = arith.constant 0 : i32
    %dma_wait3A_134 = tpu.memref_slice %arg8[%dma_wait3A_131, %dma_wait3A_132, %dma_wait3A_133] : memref<2x64x512xf32, #tpu.memory_space<vmem>> -> memref<1x64x512xf32, #tpu.memory_space<vmem>>
    %dma_wait3A_135 = tpu.memref_squeeze %dma_wait3A_134 : memref<1x64x512xf32, #tpu.memory_space<vmem>> -> memref<64x512xf32, #tpu.memory_space<vmem>>
    %dma_wait3A_136 = arith.constant 0 : i32
    %dma_wait3A_137 = tpu.memref_slice %arg7[%dma_wait3A_130, %dma_wait3A_136] : memref<4x64xi32, #tpu.memory_space<vmem>> -> memref<1x64xi32, #tpu.memory_space<vmem>>
    %dma_wait3A_138 = tpu.memref_squeeze %dma_wait3A_137 : memref<1x64xi32, #tpu.memory_space<vmem>> -> memref<64xi32, #tpu.memory_space<vmem>>
    %dma_wait3A_139 = arith.constant 0 : i32
    %dma_wait3A_140 = arith.constant 0 : i32
    %dma_wait3A_141 = tpu.memref_slice %arg3[%dma_wait3A_139, %dma_wait3A_140] : memref<23236x576xf32, #tpu.memory_space<hbm>> -> memref<23236x512xf32, #tpu.memory_space<hbm>>
    tpu.wait_indirect_dma semaphore(%arg10 : memref<!tpu.dma_semaphore, #tpu.memory_space<semaphore_mem>>) src(%dma_wait3A_141 : memref<23236x512xf32, #tpu.memory_space<hbm>>) dst(%dma_wait3A_135 : memref<64x512xf32, #tpu.memory_space<vmem>>)
    %dma_wait3A_142 = arith.constant 2 : i32
    %dma_wait3A_143 = arith.constant 0 : i32
    %dma_wait3A_144 = arith.constant 0 : i32
    %dma_wait3A_145 = arith.constant 0 : i32
    %dma_wait3A_146 = tpu.memref_slice %arg9[%dma_wait3A_143, %dma_wait3A_144, %dma_wait3A_145] : memref<2x64x128xf32, #tpu.memory_space<vmem>> -> memref<1x64x128xf32, #tpu.memory_space<vmem>>
    %dma_wait3A_147 = tpu.memref_squeeze %dma_wait3A_146 : memref<1x64x128xf32, #tpu.memory_space<vmem>> -> memref<64x128xf32, #tpu.memory_space<vmem>>
    %dma_wait3A_148 = arith.constant 0 : i32
    %dma_wait3A_149 = tpu.memref_slice %arg7[%dma_wait3A_142, %dma_wait3A_148] : memref<4x64xi32, #tpu.memory_space<vmem>> -> memref<1x64xi32, #tpu.memory_space<vmem>>
    %dma_wait3A_150 = tpu.memref_squeeze %dma_wait3A_149 : memref<1x64xi32, #tpu.memory_space<vmem>> -> memref<64xi32, #tpu.memory_space<vmem>>
    %dma_wait3A_151 = arith.constant 0 : i32
    %dma_wait3A_152 = arith.constant 0 : i32
    %dma_wait3A_153 = tpu.memref_slice %arg4[%dma_wait3A_151, %dma_wait3A_152] : memref<23236x128xf32, #tpu.memory_space<hbm>> -> memref<23236x128xf32, #tpu.memory_space<hbm>>
    tpu.wait_indirect_dma semaphore(%arg11 : memref<!tpu.dma_semaphore, #tpu.memory_space<semaphore_mem>>) src(%dma_wait3A_153 : memref<23236x128xf32, #tpu.memory_space<hbm>>) dst(%dma_wait3A_147 : memref<64x128xf32, #tpu.memory_space<vmem>>)
    %dma_start3A_154 = arith.constant 3 : i32
    %dma_start3A_155 = arith.constant 1 : i32
    %dma_start3A_156 = arith.constant 0 : i32
    %dma_start3A_157 = arith.constant 0 : i32
    %dma_start3A_158 = tpu.memref_slice %arg8[%dma_start3A_155, %dma_start3A_156, %dma_start3A_157] : memref<2x64x512xf32, #tpu.memory_space<vmem>> -> memref<1x64x512xf32, #tpu.memory_space<vmem>>
    %dma_start3A_159 = tpu.memref_squeeze %dma_start3A_158 : memref<1x64x512xf32, #tpu.memory_space<vmem>> -> memref<64x512xf32, #tpu.memory_space<vmem>>
    %dma_start3A_160 = arith.constant 0 : i32
    %dma_start3A_161 = tpu.memref_slice %arg7[%dma_start3A_154, %dma_start3A_160] : memref<4x64xi32, #tpu.memory_space<vmem>> -> memref<1x64xi32, #tpu.memory_space<vmem>>
    %dma_start3A_162 = tpu.memref_squeeze %dma_start3A_161 : memref<1x64xi32, #tpu.memory_space<vmem>> -> memref<64xi32, #tpu.memory_space<vmem>>
    %dma_start3A_163 = arith.constant 0 : i32
    %dma_start3A_164 = arith.constant 0 : i32
    %dma_start3A_165 = tpu.memref_slice %arg3[%dma_start3A_163, %dma_start3A_164] : memref<23236x576xf32, #tpu.memory_space<hbm>> -> memref<23236x512xf32, #tpu.memory_space<hbm>>
    tpu.enqueue_indirect_dma source(%dma_start3A_165 : memref<23236x512xf32, #tpu.memory_space<hbm>>) target(%dma_start3A_159 : memref<64x512xf32, #tpu.memory_space<vmem>>) offsets(%dma_start3A_162 : memref<64xi32, #tpu.memory_space<vmem>>) semaphore(%arg10 : memref<!tpu.dma_semaphore, #tpu.memory_space<semaphore_mem>>)
    %dma_start3A_166 = arith.constant 3 : i32
    %dma_start3A_167 = arith.constant 1 : i32
    %dma_start3A_168 = arith.constant 0 : i32
    %dma_start3A_169 = arith.constant 0 : i32
    %dma_start3A_170 = tpu.memref_slice %arg9[%dma_start3A_167, %dma_start3A_168, %dma_start3A_169] : memref<2x64x128xf32, #tpu.memory_space<vmem>> -> memref<1x64x128xf32, #tpu.memory_space<vmem>>
    %dma_start3A_171 = tpu.memref_squeeze %dma_start3A_170 : memref<1x64x128xf32, #tpu.memory_space<vmem>> -> memref<64x128xf32, #tpu.memory_space<vmem>>
    %dma_start3A_172 = arith.constant 0 : i32
    %dma_start3A_173 = tpu.memref_slice %arg7[%dma_start3A_166, %dma_start3A_172] : memref<4x64xi32, #tpu.memory_space<vmem>> -> memref<1x64xi32, #tpu.memory_space<vmem>>
    %dma_start3A_174 = tpu.memref_squeeze %dma_start3A_173 : memref<1x64xi32, #tpu.memory_space<vmem>> -> memref<64xi32, #tpu.memory_space<vmem>>
    %dma_start3A_175 = arith.constant 0 : i32
    %dma_start3A_176 = arith.constant 0 : i32
    %dma_start3A_177 = tpu.memref_slice %arg4[%dma_start3A_175, %dma_start3A_176] : memref<23236x128xf32, #tpu.memory_space<hbm>> -> memref<23236x128xf32, #tpu.memory_space<hbm>>
    tpu.enqueue_indirect_dma source(%dma_start3A_177 : memref<23236x128xf32, #tpu.memory_space<hbm>>) target(%dma_start3A_171 : memref<64x128xf32, #tpu.memory_space<vmem>>) offsets(%dma_start3A_174 : memref<64xi32, #tpu.memory_space<vmem>>) semaphore(%arg11 : memref<!tpu.dma_semaphore, #tpu.memory_space<semaphore_mem>>)
    %mul3A_178 = arith.constant 256 : i32
    %mul3A_179 = arith.muli %add3A, %mul3A_178 : i32
    %add3A_180 = arith.constant 128 : i32
    %add3A_181 = arith.addi %mul3A_179, %add3A_180 : i32
    %run_scoped3A_182 = arith.constant 0 : i32
    "tpu.region"() ({
      %run_scoped3A_214 = tpu.sem_alloc : memref<!tpu.dma_semaphore, #tpu.memory_space<semaphore_mem>>
      %dma_start3A_215 = arith.constant 0 : i32
      %dma_start3A_216 = arith.constant 0 : i32
      %dma_start3A_217 = tpu.memref_slice %arg8[%run_scoped3A_182, %dma_start3A_215, %dma_start3A_216] : memref<2x64x512xf32, #tpu.memory_space<vmem>> -> memref<1x64x512xf32, #tpu.memory_space<vmem>>
      %dma_start3A_218 = tpu.memref_squeeze %dma_start3A_217 : memref<1x64x512xf32, #tpu.memory_space<vmem>> -> memref<64x512xf32, #tpu.memory_space<vmem>>
      %dma_start3A_219 = arith.constant 0 : i32
      %dma_start3A_220 = tpu.memref_slice %arg5[%add3A_181, %dma_start3A_219] : memref<8192x512xf32, #tpu.memory_space<hbm>> -> memref<64x512xf32, #tpu.memory_space<hbm>>
      %dma_start3A_221 = arith.constant 0 : i32
      %dma_start3A_222 = tpu.memref_slice %arg5[%add3A_181, %dma_start3A_221] : memref<8192x512xf32, #tpu.memory_space<hbm>> -> memref<64x512xf32, #tpu.memory_space<hbm>>
      %dma_start3A_223 = arith.constant 0 : i32
      %dma_start3A_224 = arith.constant 0 : i32
      %dma_start3A_225 = tpu.memref_slice %arg8[%run_scoped3A_182, %dma_start3A_223, %dma_start3A_224] : memref<2x64x512xf32, #tpu.memory_space<vmem>> -> memref<1x64x512xf32, #tpu.memory_space<vmem>>
      %dma_start3A_226 = tpu.memref_squeeze %dma_start3A_225 : memref<1x64x512xf32, #tpu.memory_space<vmem>> -> memref<64x512xf32, #tpu.memory_space<vmem>>
      tpu.enqueue_dma source(%dma_start3A_226 : memref<64x512xf32, #tpu.memory_space<vmem>>) target(%dma_start3A_222 : memref<64x512xf32, #tpu.memory_space<hbm>>) target_semaphore(%run_scoped3A_214 : memref<!tpu.dma_semaphore, #tpu.memory_space<semaphore_mem>>)
      %dma_wait3A_227 = arith.constant 0 : i32
      %dma_wait3A_228 = arith.constant 0 : i32
      %dma_wait3A_229 = tpu.memref_slice %arg8[%run_scoped3A_182, %dma_wait3A_227, %dma_wait3A_228] : memref<2x64x512xf32, #tpu.memory_space<vmem>> -> memref<1x64x512xf32, #tpu.memory_space<vmem>>
      %dma_wait3A_230 = tpu.memref_squeeze %dma_wait3A_229 : memref<1x64x512xf32, #tpu.memory_space<vmem>> -> memref<64x512xf32, #tpu.memory_space<vmem>>
      %dma_wait3A_231 = arith.constant 0 : i32
      %dma_wait3A_232 = tpu.memref_slice %arg5[%add3A_181, %dma_wait3A_231] : memref<8192x512xf32, #tpu.memory_space<hbm>> -> memref<64x512xf32, #tpu.memory_space<hbm>>
      %dma_wait3A_233 = arith.constant 0 : i32
      %dma_wait3A_234 = tpu.memref_slice %arg5[%add3A_181, %dma_wait3A_233] : memref<8192x512xf32, #tpu.memory_space<hbm>> -> memref<64x512xf32, #tpu.memory_space<hbm>>
      %dma_wait3A_235 = arith.constant 0 : i32
      %dma_wait3A_236 = arith.constant 0 : i32
      %dma_wait3A_237 = tpu.memref_slice %arg8[%run_scoped3A_182, %dma_wait3A_235, %dma_wait3A_236] : memref<2x64x512xf32, #tpu.memory_space<vmem>> -> memref<1x64x512xf32, #tpu.memory_space<vmem>>
      %dma_wait3A_238 = tpu.memref_squeeze %dma_wait3A_237 : memref<1x64x512xf32, #tpu.memory_space<vmem>> -> memref<64x512xf32, #tpu.memory_space<vmem>>
      tpu.wait_dma2 semaphore(%run_scoped3A_214 : memref<!tpu.dma_semaphore, #tpu.memory_space<semaphore_mem>>) src(%dma_wait3A_238 : memref<64x512xf32, #tpu.memory_space<vmem>>) dst(%dma_wait3A_234 : memref<64x512xf32, #tpu.memory_space<hbm>>)
      tpu.yield
    }) : () -> ()
    %run_scoped3A_183 = arith.constant 0 : i32
    "tpu.region"() ({
      %run_scoped3A_214 = tpu.sem_alloc : memref<!tpu.dma_semaphore, #tpu.memory_space<semaphore_mem>>
      %dma_start3A_215 = arith.constant 0 : i32
      %dma_start3A_216 = arith.constant 0 : i32
      %dma_start3A_217 = tpu.memref_slice %arg9[%run_scoped3A_183, %dma_start3A_215, %dma_start3A_216] : memref<2x64x128xf32, #tpu.memory_space<vmem>> -> memref<1x64x128xf32, #tpu.memory_space<vmem>>
      %dma_start3A_218 = tpu.memref_squeeze %dma_start3A_217 : memref<1x64x128xf32, #tpu.memory_space<vmem>> -> memref<64x128xf32, #tpu.memory_space<vmem>>
      %dma_start3A_219 = arith.constant 0 : i32
      %dma_start3A_220 = tpu.memref_slice %arg6[%add3A_181, %dma_start3A_219] : memref<8192x128xf32, #tpu.memory_space<hbm>> -> memref<64x128xf32, #tpu.memory_space<hbm>>
      %dma_start3A_221 = arith.constant 0 : i32
      %dma_start3A_222 = tpu.memref_slice %arg6[%add3A_181, %dma_start3A_221] : memref<8192x128xf32, #tpu.memory_space<hbm>> -> memref<64x128xf32, #tpu.memory_space<hbm>>
      %dma_start3A_223 = arith.constant 0 : i32
      %dma_start3A_224 = arith.constant 0 : i32
      %dma_start3A_225 = tpu.memref_slice %arg9[%run_scoped3A_183, %dma_start3A_223, %dma_start3A_224] : memref<2x64x128xf32, #tpu.memory_space<vmem>> -> memref<1x64x128xf32, #tpu.memory_space<vmem>>
      %dma_start3A_226 = tpu.memref_squeeze %dma_start3A_225 : memref<1x64x128xf32, #tpu.memory_space<vmem>> -> memref<64x128xf32, #tpu.memory_space<vmem>>
      tpu.enqueue_dma source(%dma_start3A_226 : memref<64x128xf32, #tpu.memory_space<vmem>>) target(%dma_start3A_222 : memref<64x128xf32, #tpu.memory_space<hbm>>) target_semaphore(%run_scoped3A_214 : memref<!tpu.dma_semaphore, #tpu.memory_space<semaphore_mem>>)
      %dma_wait3A_227 = arith.constant 0 : i32
      %dma_wait3A_228 = arith.constant 0 : i32
      %dma_wait3A_229 = tpu.memref_slice %arg9[%run_scoped3A_183, %dma_wait3A_227, %dma_wait3A_228] : memref<2x64x128xf32, #tpu.memory_space<vmem>> -> memref<1x64x128xf32, #tpu.memory_space<vmem>>
      %dma_wait3A_230 = tpu.memref_squeeze %dma_wait3A_229 : memref<1x64x128xf32, #tpu.memory_space<vmem>> -> memref<64x128xf32, #tpu.memory_space<vmem>>
      %dma_wait3A_231 = arith.constant 0 : i32
      %dma_wait3A_232 = tpu.memref_slice %arg6[%add3A_181, %dma_wait3A_231] : memref<8192x128xf32, #tpu.memory_space<hbm>> -> memref<64x128xf32, #tpu.memory_space<hbm>>
      %dma_wait3A_233 = arith.constant 0 : i32
      %dma_wait3A_234 = tpu.memref_slice %arg6[%add3A_181, %dma_wait3A_233] : memref<8192x128xf32, #tpu.memory_space<hbm>> -> memref<64x128xf32, #tpu.memory_space<hbm>>
      %dma_wait3A_235 = arith.constant 0 : i32
      %dma_wait3A_236 = arith.constant 0 : i32
      %dma_wait3A_237 = tpu.memref_slice %arg9[%run_scoped3A_183, %dma_wait3A_235, %dma_wait3A_236] : memref<2x64x128xf32, #tpu.memory_space<vmem>> -> memref<1x64x128xf32, #tpu.memory_space<vmem>>
      %dma_wait3A_238 = tpu.memref_squeeze %dma_wait3A_237 : memref<1x64x128xf32, #tpu.memory_space<vmem>> -> memref<64x128xf32, #tpu.memory_space<vmem>>
      tpu.wait_dma2 semaphore(%run_scoped3A_214 : memref<!tpu.dma_semaphore, #tpu.memory_space<semaphore_mem>>) src(%dma_wait3A_238 : memref<64x128xf32, #tpu.memory_space<vmem>>) dst(%dma_wait3A_234 : memref<64x128xf32, #tpu.memory_space<hbm>>)
      tpu.yield
    }) : () -> ()
    %dma_wait3A_184 = arith.constant 3 : i32
    %dma_wait3A_185 = arith.constant 1 : i32
    %dma_wait3A_186 = arith.constant 0 : i32
    %dma_wait3A_187 = arith.constant 0 : i32
    %dma_wait3A_188 = tpu.memref_slice %arg8[%dma_wait3A_185, %dma_wait3A_186, %dma_wait3A_187] : memref<2x64x512xf32, #tpu.memory_space<vmem>> -> memref<1x64x512xf32, #tpu.memory_space<vmem>>
    %dma_wait3A_189 = tpu.memref_squeeze %dma_wait3A_188 : memref<1x64x512xf32, #tpu.memory_space<vmem>> -> memref<64x512xf32, #tpu.memory_space<vmem>>
    %dma_wait3A_190 = arith.constant 0 : i32
    %dma_wait3A_191 = tpu.memref_slice %arg7[%dma_wait3A_184, %dma_wait3A_190] : memref<4x64xi32, #tpu.memory_space<vmem>> -> memref<1x64xi32, #tpu.memory_space<vmem>>
    %dma_wait3A_192 = tpu.memref_squeeze %dma_wait3A_191 : memref<1x64xi32, #tpu.memory_space<vmem>> -> memref<64xi32, #tpu.memory_space<vmem>>
    %dma_wait3A_193 = arith.constant 0 : i32
    %dma_wait3A_194 = arith.constant 0 : i32
    %dma_wait3A_195 = tpu.memref_slice %arg3[%dma_wait3A_193, %dma_wait3A_194] : memref<23236x576xf32, #tpu.memory_space<hbm>> -> memref<23236x512xf32, #tpu.memory_space<hbm>>
    tpu.wait_indirect_dma semaphore(%arg10 : memref<!tpu.dma_semaphore, #tpu.memory_space<semaphore_mem>>) src(%dma_wait3A_195 : memref<23236x512xf32, #tpu.memory_space<hbm>>) dst(%dma_wait3A_189 : memref<64x512xf32, #tpu.memory_space<vmem>>)
    %dma_wait3A_196 = arith.constant 3 : i32
    %dma_wait3A_197 = arith.constant 1 : i32
    %dma_wait3A_198 = arith.constant 0 : i32
    %dma_wait3A_199 = arith.constant 0 : i32
    %dma_wait3A_200 = tpu.memref_slice %arg9[%dma_wait3A_197, %dma_wait3A_198, %dma_wait3A_199] : memref<2x64x128xf32, #tpu.memory_space<vmem>> -> memref<1x64x128xf32, #tpu.memory_space<vmem>>
    %dma_wait3A_201 = tpu.memref_squeeze %dma_wait3A_200 : memref<1x64x128xf32, #tpu.memory_space<vmem>> -> memref<64x128xf32, #tpu.memory_space<vmem>>
    %dma_wait3A_202 = arith.constant 0 : i32
    %dma_wait3A_203 = tpu.memref_slice %arg7[%dma_wait3A_196, %dma_wait3A_202] : memref<4x64xi32, #tpu.memory_space<vmem>> -> memref<1x64xi32, #tpu.memory_space<vmem>>
    %dma_wait3A_204 = tpu.memref_squeeze %dma_wait3A_203 : memref<1x64xi32, #tpu.memory_space<vmem>> -> memref<64xi32, #tpu.memory_space<vmem>>
    %dma_wait3A_205 = arith.constant 0 : i32
    %dma_wait3A_206 = arith.constant 0 : i32
    %dma_wait3A_207 = tpu.memref_slice %arg4[%dma_wait3A_205, %dma_wait3A_206] : memref<23236x128xf32, #tpu.memory_space<hbm>> -> memref<23236x128xf32, #tpu.memory_space<hbm>>
    tpu.wait_indirect_dma semaphore(%arg11 : memref<!tpu.dma_semaphore, #tpu.memory_space<semaphore_mem>>) src(%dma_wait3A_207 : memref<23236x128xf32, #tpu.memory_space<hbm>>) dst(%dma_wait3A_201 : memref<64x128xf32, #tpu.memory_space<vmem>>)
    %mul3A_208 = arith.constant 256 : i32
    %mul3A_209 = arith.muli %add3A, %mul3A_208 : i32
    %add3A_210 = arith.constant 192 : i32
    %add3A_211 = arith.addi %mul3A_209, %add3A_210 : i32
    %run_scoped3A_212 = arith.constant 1 : i32
    "tpu.region"() ({
      %run_scoped3A_214 = tpu.sem_alloc : memref<!tpu.dma_semaphore, #tpu.memory_space<semaphore_mem>>
      %dma_start3A_215 = arith.constant 0 : i32
      %dma_start3A_216 = arith.constant 0 : i32
      %dma_start3A_217 = tpu.memref_slice %arg8[%run_scoped3A_212, %dma_start3A_215, %dma_start3A_216] : memref<2x64x512xf32, #tpu.memory_space<vmem>> -> memref<1x64x512xf32, #tpu.memory_space<vmem>>
      %dma_start3A_218 = tpu.memref_squeeze %dma_start3A_217 : memref<1x64x512xf32, #tpu.memory_space<vmem>> -> memref<64x512xf32, #tpu.memory_space<vmem>>
      %dma_start3A_219 = arith.constant 0 : i32
      %dma_start3A_220 = tpu.memref_slice %arg5[%add3A_211, %dma_start3A_219] : memref<8192x512xf32, #tpu.memory_space<hbm>> -> memref<64x512xf32, #tpu.memory_space<hbm>>
      %dma_start3A_221 = arith.constant 0 : i32
      %dma_start3A_222 = tpu.memref_slice %arg5[%add3A_211, %dma_start3A_221] : memref<8192x512xf32, #tpu.memory_space<hbm>> -> memref<64x512xf32, #tpu.memory_space<hbm>>
      %dma_start3A_223 = arith.constant 0 : i32
      %dma_start3A_224 = arith.constant 0 : i32
      %dma_start3A_225 = tpu.memref_slice %arg8[%run_scoped3A_212, %dma_start3A_223, %dma_start3A_224] : memref<2x64x512xf32, #tpu.memory_space<vmem>> -> memref<1x64x512xf32, #tpu.memory_space<vmem>>
      %dma_start3A_226 = tpu.memref_squeeze %dma_start3A_225 : memref<1x64x512xf32, #tpu.memory_space<vmem>> -> memref<64x512xf32, #tpu.memory_space<vmem>>
      tpu.enqueue_dma source(%dma_start3A_226 : memref<64x512xf32, #tpu.memory_space<vmem>>) target(%dma_start3A_222 : memref<64x512xf32, #tpu.memory_space<hbm>>) target_semaphore(%run_scoped3A_214 : memref<!tpu.dma_semaphore, #tpu.memory_space<semaphore_mem>>)
      %dma_wait3A_227 = arith.constant 0 : i32
      %dma_wait3A_228 = arith.constant 0 : i32
      %dma_wait3A_229 = tpu.memref_slice %arg8[%run_scoped3A_212, %dma_wait3A_227, %dma_wait3A_228] : memref<2x64x512xf32, #tpu.memory_space<vmem>> -> memref<1x64x512xf32, #tpu.memory_space<vmem>>
      %dma_wait3A_230 = tpu.memref_squeeze %dma_wait3A_229 : memref<1x64x512xf32, #tpu.memory_space<vmem>> -> memref<64x512xf32, #tpu.memory_space<vmem>>
      %dma_wait3A_231 = arith.constant 0 : i32
      %dma_wait3A_232 = tpu.memref_slice %arg5[%add3A_211, %dma_wait3A_231] : memref<8192x512xf32, #tpu.memory_space<hbm>> -> memref<64x512xf32, #tpu.memory_space<hbm>>
      %dma_wait3A_233 = arith.constant 0 : i32
      %dma_wait3A_234 = tpu.memref_slice %arg5[%add3A_211, %dma_wait3A_233] : memref<8192x512xf32, #tpu.memory_space<hbm>> -> memref<64x512xf32, #tpu.memory_space<hbm>>
      %dma_wait3A_235 = arith.constant 0 : i32
      %dma_wait3A_236 = arith.constant 0 : i32
      %dma_wait3A_237 = tpu.memref_slice %arg8[%run_scoped3A_212, %dma_wait3A_235, %dma_wait3A_236] : memref<2x64x512xf32, #tpu.memory_space<vmem>> -> memref<1x64x512xf32, #tpu.memory_space<vmem>>
      %dma_wait3A_238 = tpu.memref_squeeze %dma_wait3A_237 : memref<1x64x512xf32, #tpu.memory_space<vmem>> -> memref<64x512xf32, #tpu.memory_space<vmem>>
      tpu.wait_dma2 semaphore(%run_scoped3A_214 : memref<!tpu.dma_semaphore, #tpu.memory_space<semaphore_mem>>) src(%dma_wait3A_238 : memref<64x512xf32, #tpu.memory_space<vmem>>) dst(%dma_wait3A_234 : memref<64x512xf32, #tpu.memory_space<hbm>>)
      tpu.yield
    }) : () -> ()
    %run_scoped3A_213 = arith.constant 1 : i32
    "tpu.region"() ({
      %run_scoped3A_214 = tpu.sem_alloc : memref<!tpu.dma_semaphore, #tpu.memory_space<semaphore_mem>>
      %dma_start3A_215 = arith.constant 0 : i32
      %dma_start3A_216 = arith.constant 0 : i32
      %dma_start3A_217 = tpu.memref_slice %arg9[%run_scoped3A_213, %dma_start3A_215, %dma_start3A_216] : memref<2x64x128xf32, #tpu.memory_space<vmem>> -> memref<1x64x128xf32, #tpu.memory_space<vmem>>
      %dma_start3A_218 = tpu.memref_squeeze %dma_start3A_217 : memref<1x64x128xf32, #tpu.memory_space<vmem>> -> memref<64x128xf32, #tpu.memory_space<vmem>>
      %dma_start3A_219 = arith.constant 0 : i32
      %dma_start3A_220 = tpu.memref_slice %arg6[%add3A_211, %dma_start3A_219] : memref<8192x128xf32, #tpu.memory_space<hbm>> -> memref<64x128xf32, #tpu.memory_space<hbm>>
      %dma_start3A_221 = arith.constant 0 : i32
      %dma_start3A_222 = tpu.memref_slice %arg6[%add3A_211, %dma_start3A_221] : memref<8192x128xf32, #tpu.memory_space<hbm>> -> memref<64x128xf32, #tpu.memory_space<hbm>>
      %dma_start3A_223 = arith.constant 0 : i32
      %dma_start3A_224 = arith.constant 0 : i32
      %dma_start3A_225 = tpu.memref_slice %arg9[%run_scoped3A_213, %dma_start3A_223, %dma_start3A_224] : memref<2x64x128xf32, #tpu.memory_space<vmem>> -> memref<1x64x128xf32, #tpu.memory_space<vmem>>
      %dma_start3A_226 = tpu.memref_squeeze %dma_start3A_225 : memref<1x64x128xf32, #tpu.memory_space<vmem>> -> memref<64x128xf32, #tpu.memory_space<vmem>>
      tpu.enqueue_dma source(%dma_start3A_226 : memref<64x128xf32, #tpu.memory_space<vmem>>) target(%dma_start3A_222 : memref<64x128xf32, #tpu.memory_space<hbm>>) target_semaphore(%run_scoped3A_214 : memref<!tpu.dma_semaphore, #tpu.memory_space<semaphore_mem>>)
      %dma_wait3A_227 = arith.constant 0 : i32
      %dma_wait3A_228 = arith.constant 0 : i32
      %dma_wait3A_229 = tpu.memref_slice %arg9[%run_scoped3A_213, %dma_wait3A_227, %dma_wait3A_228] : memref<2x64x128xf32, #tpu.memory_space<vmem>> -> memref<1x64x128xf32, #tpu.memory_space<vmem>>
      %dma_wait3A_230 = tpu.memref_squeeze %dma_wait3A_229 : memref<1x64x128xf32, #tpu.memory_space<vmem>> -> memref<64x128xf32, #tpu.memory_space<vmem>>
      %dma_wait3A_231 = arith.constant 0 : i32
      %dma_wait3A_232 = tpu.memref_slice %arg6[%add3A_211, %dma_wait3A_231] : memref<8192x128xf32, #tpu.memory_space<hbm>> -> memref<64x128xf32, #tpu.memory_space<hbm>>
      %dma_wait3A_233 = arith.constant 0 : i32
      %dma_wait3A_234 = tpu.memref_slice %arg6[%add3A_211, %dma_wait3A_233] : memref<8192x128xf32, #tpu.memory_space<hbm>> -> memref<64x128xf32, #tpu.memory_space<hbm>>
      %dma_wait3A_235 = arith.constant 0 : i32
      %dma_wait3A_236 = arith.constant 0 : i32
      %dma_wait3A_237 = tpu.memref_slice %arg9[%run_scoped3A_213, %dma_wait3A_235, %dma_wait3A_236] : memref<2x64x128xf32, #tpu.memory_space<vmem>> -> memref<1x64x128xf32, #tpu.memory_space<vmem>>
      %dma_wait3A_238 = tpu.memref_squeeze %dma_wait3A_237 : memref<1x64x128xf32, #tpu.memory_space<vmem>> -> memref<64x128xf32, #tpu.memory_space<vmem>>
      tpu.wait_dma2 semaphore(%run_scoped3A_214 : memref<!tpu.dma_semaphore, #tpu.memory_space<semaphore_mem>>) src(%dma_wait3A_238 : memref<64x128xf32, #tpu.memory_space<vmem>>) dst(%dma_wait3A_234 : memref<64x128xf32, #tpu.memory_space<hbm>>)
      tpu.yield
    }) : () -> ()
    return
  }
}

module attributes {stable_mosaic.version = 14 : i64} {
  func.func @_tail_body(%arg0: i32, %arg1: memref<1024x128xf32, #tpu.memory_space<vmem>>, %arg2: memref<1024x128xf32, #tpu.memory_space<vmem>>) attributes {dimension_semantics = [#tpu.dimension_semantics<arbitrary>], iteration_bounds = array<i64: 23>, scalar_prefetch = 0 : i64, scratch_operands = 0 : i64, tpu.core_type = #tpu.core_type<tc>, window_params = [{transform_indices = @transform_0, window_bounds = array<i64: 1024, 128>}, {transform_indices = @transform_1, window_bounds = array<i64: 1024, 128>}]} {
    %get3A = arith.constant 0 : index
    %get3A_0 = arith.constant 0 : index
    %get3A_1 = vector.load %arg1[%get3A, %get3A_0] : memref<1024x128xf32, #tpu.memory_space<vmem>>, vector<1024x128xf32>
    %iota3A = tpu.iota {dimensions = array<i32: 1>} : vector<1024x128xi32>
    %lt3A = arith.constant 64 : i32
    %lt3A_2 = vector.broadcast %lt3A : i32 to vector<1024x128xi32>
    %lt3A_3 = arith.cmpi slt, %iota3A, %lt3A_2 : vector<1024x128xi32>
    %jit3A = arith.constant 0.000000e+00 : f32
    %broadcast_in_dim3A = vector.broadcast %jit3A : f32 to vector<1024x128xf32>
    %select_n3A = arith.select %lt3A_3, %get3A_1, %broadcast_in_dim3A : vector<1024x128xi1>, vector<1024x128xf32>
    %swap3A = arith.constant 0 : index
    %swap3A_4 = arith.constant 0 : index
    %swap3A_5 = vector.load %arg2[%swap3A, %swap3A_4] : memref<1024x128xf32, #tpu.memory_space<vmem>>, vector<1024x128xf32>
    tpu.vector_store %arg2[%swap3A, %swap3A_4], %select_n3A {strides = array<i32>} : memref<1024x128xf32, #tpu.memory_space<vmem>>, vector<1024x128xf32>,
    return
  }
  func.func @transform_0(%arg0: i32) -> (i32, i32) {
    %c4_i32 = arith.constant 4 : i32
    %c0_i32 = arith.constant 0 : i32
    return %arg0, %c4_i32 : i32, i32
  }
  func.func @transform_1(%arg0: i32) -> (i32, i32) {
    %c0_i32 = arith.constant 0 : i32
    %c0_i32_0 = arith.constant 0 : i32
    return %arg0, %c0_i32 : i32, i32
  }
}

module attributes {stable_mosaic.version = 14 : i64} {
  func.func @_fused_body(%arg0: i32, %arg1: memref<1024x768xf32, #tpu.memory_space<vmem>>, %arg2: memref<1024x512xf32, #tpu.memory_space<vmem>>, %arg3: memref<1024x128xf32, #tpu.memory_space<vmem>>, %arg4: memref<1024x8xi32, #tpu.memory_space<vmem>>, %arg5: memref<1024x1xi32, #tpu.memory_space<vmem>>, %arg6: memref<32x128xf32, #tpu.memory_space<vmem>>, %arg7: memref<128x128xf32, #tpu.memory_space<vmem>>, %arg8: memref<128x128xf32, #tpu.memory_space<vmem>>, %arg9: memref<1x128xf32, #tpu.memory_space<vmem>>, %arg10: memref<64x64xbf16, #tpu.memory_space<vmem>>, %arg11: memref<768x768xbf16, #tpu.memory_space<vmem>>, %arg12: memref<128x768xbf16, #tpu.memory_space<vmem>>, %arg13: memref<640x768xbf16, #tpu.memory_space<vmem>>, %arg14: memref<64x768xbf16, #tpu.memory_space<vmem>>, %arg15: memref<1x768xf32, #tpu.memory_space<vmem>>, %arg16: memref<1x768xf32, #tpu.memory_space<vmem>>, %arg17: memref<1x768xf32, #tpu.memory_space<vmem>>, %arg18: memref<1024x768xf32, #tpu.memory_space<vmem>>) attributes {dimension_semantics = [#tpu.dimension_semantics<arbitrary>], iteration_bounds = array<i64: 8>, scalar_prefetch = 0 : i64, scratch_operands = 0 : i64, tpu.core_type = #tpu.core_type<tc>, window_params = [{transform_indices = @transform_0, window_bounds = array<i64: 1024, 768>}, {transform_indices = @transform_1, window_bounds = array<i64: 1024, 512>}, {transform_indices = @transform_2, window_bounds = array<i64: 1024, 128>}, {transform_indices = @transform_3, window_bounds = array<i64: 1024, 8>}, {transform_indices = @transform_4, window_bounds = array<i64: 1024, 1>}, {pipeline_mode = #tpu.pipeline_mode<synchronous>, transform_indices = @transform_5, window_bounds = array<i64: 32, 128>}, {pipeline_mode = #tpu.pipeline_mode<synchronous>, transform_indices = @transform_6, window_bounds = array<i64: 128, 128>}, {pipeline_mode = #tpu.pipeline_mode<synchronous>, transform_indices = @transform_7, window_bounds = array<i64: 128, 128>}, {pipeline_mode = #tpu.pipeline_mode<synchronous>, transform_indices = @transform_8, window_bounds = array<i64: 1, 128>}, {pipeline_mode = #tpu.pipeline_mode<synchronous>, transform_indices = @transform_9, window_bounds = array<i64: 64, 64>}, {pipeline_mode = #tpu.pipeline_mode<synchronous>, transform_indices = @transform_10, window_bounds = array<i64: 768, 768>}, {pipeline_mode = #tpu.pipeline_mode<synchronous>, transform_indices = @transform_11, window_bounds = array<i64: 128, 768>}, {pipeline_mode = #tpu.pipeline_mode<synchronous>, transform_indices = @transform_12, window_bounds = array<i64: 640, 768>}, {pipeline_mode = #tpu.pipeline_mode<synchronous>, transform_indices = @transform_13, window_bounds = array<i64: 64, 768>}, {pipeline_mode = #tpu.pipeline_mode<synchronous>, transform_indices = @transform_14, window_bounds = array<i64: 1, 768>}, {pipeline_mode = #tpu.pipeline_mode<synchronous>, transform_indices = @transform_15, window_bounds = array<i64: 1, 768>}, {pipeline_mode = #tpu.pipeline_mode<synchronous>, transform_indices = @transform_16, window_bounds = array<i64: 1, 768>}, {transform_indices = @transform_17, window_bounds = array<i64: 1024, 768>}]} {
    %get3A = arith.constant 0 : index
    %get3A_0 = arith.constant 0 : index
    %get3A_1 = vector.load %arg1[%get3A, %get3A_0] : memref<1024x768xf32, #tpu.memory_space<vmem>>, vector<1024x768xf32>
    %convert_element_type3A = arith.truncf %get3A_1 : vector<1024x768xf32> to vector<1024x768xbf16>
    %get3A_2 = arith.constant 0 : index
    %get3A_3 = arith.constant 0 : index
    %get3A_4 = vector.load %arg2[%get3A_2, %get3A_3] : memref<1024x512xf32, #tpu.memory_space<vmem>>, vector<1024x512xf32>
    %get3A_5 = arith.constant 0 : index
    %get3A_6 = arith.constant 0 : index
    %get3A_7 = vector.load %arg3[%get3A_5, %get3A_6] : memref<1024x128xf32, #tpu.memory_space<vmem>>, vector<1024x128xf32>
    %concatenate3A = tpu.concatenate %get3A_4, %get3A_7 in 1 : vector<1024x512xf32>, vector<1024x128xf32> -> vector<1024x640xf32>
    %convert_element_type3A_8 = arith.truncf %concatenate3A : vector<1024x640xf32> to vector<1024x640xbf16>
    %get3A_9 = arith.constant 0 : index
    %get3A_10 = arith.constant 0 : index
    %get3A_11 = vector.load %arg4[%get3A_9, %get3A_10] : memref<1024x8xi32, #tpu.memory_space<vmem>>, vector<1024x8xi32>
    %get3A_12 = arith.constant 0 : index
    %get3A_13 = arith.constant 0 : index
    %get3A_14 = vector.load %arg5[%get3A_12, %get3A_13] : memref<1024x1xi32, #tpu.memory_space<vmem>>, vector<1024x1xi32>
    %get3A_15 = arith.constant 0 : index
    %get3A_16 = arith.constant 0 : index
    %get3A_17 = vector.load %arg6[%get3A_15, %get3A_16] : memref<32x128xf32, #tpu.memory_space<vmem>>, vector<32x128xf32>
    %get3A_18 = arith.constant 0 : index
    %get3A_19 = arith.constant 0 : index
    %get3A_20 = vector.load %arg7[%get3A_18, %get3A_19] : memref<128x128xf32, #tpu.memory_space<vmem>>, vector<128x128xf32>
    %dot_general3A = arith.constant dense<0.000000e+00> : vector<32x128xf32>
    %dot_general3A_21 = tpu.matmul %get3A_17, %get3A_20, %dot_general3A {dimension_numbers = #tpu.dot_dimension_numbers<[1], [0], [0], [1], [0, 0, 1, 1], [], []>, transpose_lhs_hint = false} : vector<32x128xf32>, vector<128x128xf32>, vector<32x128xf32> -> vector<32x128xf32>
    %get3A_22 = arith.constant 0 : index
    %get3A_23 = arith.constant 0 : index
    %get3A_24 = vector.load %arg6[%get3A_22, %get3A_23] : memref<32x128xf32, #tpu.memory_space<vmem>>, vector<32x128xf32>
    %get3A_25 = arith.constant 0 : index
    %get3A_26 = arith.constant 0 : index
    %get3A_27 = vector.load %arg8[%get3A_25, %get3A_26] : memref<128x128xf32, #tpu.memory_space<vmem>>, vector<128x128xf32>
    %dot_general3A_28 = arith.constant dense<0.000000e+00> : vector<32x128xf32>
    %dot_general3A_29 = tpu.matmul %get3A_24, %get3A_27, %dot_general3A_28 {dimension_numbers = #tpu.dot_dimension_numbers<[1], [0], [0], [1], [0, 0, 1, 1], [], []>, transpose_lhs_hint = false} : vector<32x128xf32>, vector<128x128xf32>, vector<32x128xf32> -> vector<32x128xf32>
    %concatenate3A_30 = tpu.concatenate %dot_general3A_21, %dot_general3A_29 in 1 : vector<32x128xf32>, vector<32x128xf32> -> vector<32x256xf32>
    %convert_element_type3A_31 = arith.truncf %concatenate3A_30 : vector<32x256xf32> to vector<32x256xbf16>
    %slice3A = vector.extract_strided_slice %get3A_11 {offsets = [0, 0], sizes = [1024, 1], strides = [1, 1]} : vector<1024x8xi32> to vector<1024x1xi32>
    %iota3A = tpu.iota {dimensions = array<i32: 1>} : vector<1024x32xi32>
    %eq3A = vector.broadcast %slice3A : vector<1024x1xi32> to vector<1024x32xi32>
    %eq3A_32 = arith.cmpi eq, %eq3A, %iota3A : vector<1024x32xi32>
    %convert_element_type3A_33 = arith.extui %eq3A_32 : vector<1024x32xi1> to vector<1024x32xi32>
    %convert_element_type3A_34 = arith.sitofp %convert_element_type3A_33 : vector<1024x32xi32> to vector<1024x32xf32>
    %convert_element_type3A_35 = arith.truncf %convert_element_type3A_34 : vector<1024x32xf32> to vector<1024x32xbf16>
    %dot_general3A_36 = arith.constant dense<0.000000e+00> : vector<1024x256xf32>
    %dot_general3A_37 = tpu.matmul %convert_element_type3A_35, %convert_element_type3A_31, %dot_general3A_36 {dimension_numbers = #tpu.dot_dimension_numbers<[1], [0], [0], [1], [0, 0, 1, 1], [], []>, transpose_lhs_hint = false} : vector<1024x32xbf16>, vector<32x256xbf16>, vector<1024x256xf32> -> vector<1024x256xf32>
    %slice3A_38 = vector.extract_strided_slice %get3A_11 {offsets = [0, 1], sizes = [1024, 1], strides = [1, 1]} : vector<1024x8xi32> to vector<1024x1xi32>
    %iota3A_39 = tpu.iota {dimensions = array<i32: 1>} : vector<1024x32xi32>
    %eq3A_40 = vector.broadcast %slice3A_38 : vector<1024x1xi32> to vector<1024x32xi32>
    %eq3A_41 = arith.cmpi eq, %eq3A_40, %iota3A_39 : vector<1024x32xi32>
    %convert_element_type3A_42 = arith.extui %eq3A_41 : vector<1024x32xi1> to vector<1024x32xi32>
    %convert_element_type3A_43 = arith.sitofp %convert_element_type3A_42 : vector<1024x32xi32> to vector<1024x32xf32>
    %convert_element_type3A_44 = arith.truncf %convert_element_type3A_43 : vector<1024x32xf32> to vector<1024x32xbf16>
    %dot_general3A_45 = arith.constant dense<0.000000e+00> : vector<1024x256xf32>
    %dot_general3A_46 = tpu.matmul %convert_element_type3A_44, %convert_element_type3A_31, %dot_general3A_45 {dimension_numbers = #tpu.dot_dimension_numbers<[1], [0], [0], [1], [0, 0, 1, 1], [], []>, transpose_lhs_hint = false} : vector<1024x32xbf16>, vector<32x256xbf16>, vector<1024x256xf32> -> vector<1024x256xf32>
    %slice3A_47 = vector.extract_strided_slice %get3A_11 {offsets = [0, 2], sizes = [1024, 1], strides = [1, 1]} : vector<1024x8xi32> to vector<1024x1xi32>
    %iota3A_48 = tpu.iota {dimensions = array<i32: 1>} : vector<1024x32xi32>
    %eq3A_49 = vector.broadcast %slice3A_47 : vector<1024x1xi32> to vector<1024x32xi32>
    %eq3A_50 = arith.cmpi eq, %eq3A_49, %iota3A_48 : vector<1024x32xi32>
    %convert_element_type3A_51 = arith.extui %eq3A_50 : vector<1024x32xi1> to vector<1024x32xi32>
    %convert_element_type3A_52 = arith.sitofp %convert_element_type3A_51 : vector<1024x32xi32> to vector<1024x32xf32>
    %convert_element_type3A_53 = arith.truncf %convert_element_type3A_52 : vector<1024x32xf32> to vector<1024x32xbf16>
    %dot_general3A_54 = arith.constant dense<0.000000e+00> : vector<1024x256xf32>
    %dot_general3A_55 = tpu.matmul %convert_element_type3A_53, %convert_element_type3A_31, %dot_general3A_54 {dimension_numbers = #tpu.dot_dimension_numbers<[1], [0], [0], [1], [0, 0, 1, 1], [], []>, transpose_lhs_hint = false} : vector<1024x32xbf16>, vector<32x256xbf16>, vector<1024x256xf32> -> vector<1024x256xf32>
    %slice3A_56 = vector.extract_strided_slice %get3A_11 {offsets = [0, 3], sizes = [1024, 1], strides = [1, 1]} : vector<1024x8xi32> to vector<1024x1xi32>
    %iota3A_57 = tpu.iota {dimensions = array<i32: 1>} : vector<1024x32xi32>
    %eq3A_58 = vector.broadcast %slice3A_56 : vector<1024x1xi32> to vector<1024x32xi32>
    %eq3A_59 = arith.cmpi eq, %eq3A_58, %iota3A_57 : vector<1024x32xi32>
    %convert_element_type3A_60 = arith.extui %eq3A_59 : vector<1024x32xi1> to vector<1024x32xi32>
    %convert_element_type3A_61 = arith.sitofp %convert_element_type3A_60 : vector<1024x32xi32> to vector<1024x32xf32>
    %convert_element_type3A_62 = arith.truncf %convert_element_type3A_61 : vector<1024x32xf32> to vector<1024x32xbf16>
    %dot_general3A_63 = arith.constant dense<0.000000e+00> : vector<1024x256xf32>
    %dot_general3A_64 = tpu.matmul %convert_element_type3A_62, %convert_element_type3A_31, %dot_general3A_63 {dimension_numbers = #tpu.dot_dimension_numbers<[1], [0], [0], [1], [0, 0, 1, 1], [], []>, transpose_lhs_hint = false} : vector<1024x32xbf16>, vector<32x256xbf16>, vector<1024x256xf32> -> vector<1024x256xf32>
    %slice3A_65 = vector.extract_strided_slice %get3A_11 {offsets = [0, 4], sizes = [1024, 1], strides = [1, 1]} : vector<1024x8xi32> to vector<1024x1xi32>
    %iota3A_66 = tpu.iota {dimensions = array<i32: 1>} : vector<1024x32xi32>
    %eq3A_67 = vector.broadcast %slice3A_65 : vector<1024x1xi32> to vector<1024x32xi32>
    %eq3A_68 = arith.cmpi eq, %eq3A_67, %iota3A_66 : vector<1024x32xi32>
    %convert_element_type3A_69 = arith.extui %eq3A_68 : vector<1024x32xi1> to vector<1024x32xi32>
    %convert_element_type3A_70 = arith.sitofp %convert_element_type3A_69 : vector<1024x32xi32> to vector<1024x32xf32>
    %convert_element_type3A_71 = arith.truncf %convert_element_type3A_70 : vector<1024x32xf32> to vector<1024x32xbf16>
    %dot_general3A_72 = arith.constant dense<0.000000e+00> : vector<1024x256xf32>
    %dot_general3A_73 = tpu.matmul %convert_element_type3A_71, %convert_element_type3A_31, %dot_general3A_72 {dimension_numbers = #tpu.dot_dimension_numbers<[1], [0], [0], [1], [0, 0, 1, 1], [], []>, transpose_lhs_hint = false} : vector<1024x32xbf16>, vector<32x256xbf16>, vector<1024x256xf32> -> vector<1024x256xf32>
    %slice3A_74 = vector.extract_strided_slice %get3A_11 {offsets = [0, 5], sizes = [1024, 1], strides = [1, 1]} : vector<1024x8xi32> to vector<1024x1xi32>
    %iota3A_75 = tpu.iota {dimensions = array<i32: 1>} : vector<1024x32xi32>
    %eq3A_76 = vector.broadcast %slice3A_74 : vector<1024x1xi32> to vector<1024x32xi32>
    %eq3A_77 = arith.cmpi eq, %eq3A_76, %iota3A_75 : vector<1024x32xi32>
    %convert_element_type3A_78 = arith.extui %eq3A_77 : vector<1024x32xi1> to vector<1024x32xi32>
    %convert_element_type3A_79 = arith.sitofp %convert_element_type3A_78 : vector<1024x32xi32> to vector<1024x32xf32>
    %convert_element_type3A_80 = arith.truncf %convert_element_type3A_79 : vector<1024x32xf32> to vector<1024x32xbf16>
    %dot_general3A_81 = arith.constant dense<0.000000e+00> : vector<1024x256xf32>
    %dot_general3A_82 = tpu.matmul %convert_element_type3A_80, %convert_element_type3A_31, %dot_general3A_81 {dimension_numbers = #tpu.dot_dimension_numbers<[1], [0], [0], [1], [0, 0, 1, 1], [], []>, transpose_lhs_hint = false} : vector<1024x32xbf16>, vector<32x256xbf16>, vector<1024x256xf32> -> vector<1024x256xf32>
    %slice3A_83 = vector.extract_strided_slice %get3A_11 {offsets = [0, 6], sizes = [1024, 1], strides = [1, 1]} : vector<1024x8xi32> to vector<1024x1xi32>
    %iota3A_84 = tpu.iota {dimensions = array<i32: 1>} : vector<1024x32xi32>
    %eq3A_85 = vector.broadcast %slice3A_83 : vector<1024x1xi32> to vector<1024x32xi32>
    %eq3A_86 = arith.cmpi eq, %eq3A_85, %iota3A_84 : vector<1024x32xi32>
    %convert_element_type3A_87 = arith.extui %eq3A_86 : vector<1024x32xi1> to vector<1024x32xi32>
    %convert_element_type3A_88 = arith.sitofp %convert_element_type3A_87 : vector<1024x32xi32> to vector<1024x32xf32>
    %convert_element_type3A_89 = arith.truncf %convert_element_type3A_88 : vector<1024x32xf32> to vector<1024x32xbf16>
    %dot_general3A_90 = arith.constant dense<0.000000e+00> : vector<1024x256xf32>
    %dot_general3A_91 = tpu.matmul %convert_element_type3A_89, %convert_element_type3A_31, %dot_general3A_90 {dimension_numbers = #tpu.dot_dimension_numbers<[1], [0], [0], [1], [0, 0, 1, 1], [], []>, transpose_lhs_hint = false} : vector<1024x32xbf16>, vector<32x256xbf16>, vector<1024x256xf32> -> vector<1024x256xf32>
    %slice3A_92 = vector.extract_strided_slice %get3A_11 {offsets = [0, 7], sizes = [1024, 1], strides = [1, 1]} : vector<1024x8xi32> to vector<1024x1xi32>
    %iota3A_93 = tpu.iota {dimensions = array<i32: 1>} : vector<1024x32xi32>
    %eq3A_94 = vector.broadcast %slice3A_92 : vector<1024x1xi32> to vector<1024x32xi32>
    %eq3A_95 = arith.cmpi eq, %eq3A_94, %iota3A_93 : vector<1024x32xi32>
    %convert_element_type3A_96 = arith.extui %eq3A_95 : vector<1024x32xi1> to vector<1024x32xi32>
    %convert_element_type3A_97 = arith.sitofp %convert_element_type3A_96 : vector<1024x32xi32> to vector<1024x32xf32>
    %convert_element_type3A_98 = arith.truncf %convert_element_type3A_97 : vector<1024x32xf32> to vector<1024x32xbf16>
    %dot_general3A_99 = arith.constant dense<0.000000e+00> : vector<1024x256xf32>
    %dot_general3A_100 = tpu.matmul %convert_element_type3A_98, %convert_element_type3A_31, %dot_general3A_99 {dimension_numbers = #tpu.dot_dimension_numbers<[1], [0], [0], [1], [0, 0, 1, 1], [], []>, transpose_lhs_hint = false} : vector<1024x32xbf16>, vector<32x256xbf16>, vector<1024x256xf32> -> vector<1024x256xf32>
    %slice3A_101 = vector.extract_strided_slice %dot_general3A_37 {offsets = [0, 0], sizes = [1024, 128], strides = [1, 1]} : vector<1024x256xf32> to vector<1024x128xf32>
    %slice3A_102 = vector.extract_strided_slice %dot_general3A_46 {offsets = [0, 128], sizes = [1024, 128], strides = [1, 1]} : vector<1024x256xf32> to vector<1024x128xf32>
    %add3A = arith.addf %slice3A_101, %slice3A_102 : vector<1024x128xf32>
    %slice3A_103 = vector.extract_strided_slice %dot_general3A_46 {offsets = [0, 0], sizes = [1024, 128], strides = [1, 1]} : vector<1024x256xf32> to vector<1024x128xf32>
    %slice3A_104 = vector.extract_strided_slice %dot_general3A_55 {offsets = [0, 128], sizes = [1024, 128], strides = [1, 1]} : vector<1024x256xf32> to vector<1024x128xf32>
    %add3A_105 = arith.addf %slice3A_103, %slice3A_104 : vector<1024x128xf32>
    %max3A = arith.maximumf %add3A, %add3A_105 : vector<1024x128xf32>
    %slice3A_106 = vector.extract_strided_slice %dot_general3A_55 {offsets = [0, 0], sizes = [1024, 128], strides = [1, 1]} : vector<1024x256xf32> to vector<1024x128xf32>
    %slice3A_107 = vector.extract_strided_slice %dot_general3A_64 {offsets = [0, 128], sizes = [1024, 128], strides = [1, 1]} : vector<1024x256xf32> to vector<1024x128xf32>
    %add3A_108 = arith.addf %slice3A_106, %slice3A_107 : vector<1024x128xf32>
    %max3A_109 = arith.maximumf %max3A, %add3A_108 : vector<1024x128xf32>
    %slice3A_110 = vector.extract_strided_slice %dot_general3A_64 {offsets = [0, 0], sizes = [1024, 128], strides = [1, 1]} : vector<1024x256xf32> to vector<1024x128xf32>
    %slice3A_111 = vector.extract_strided_slice %dot_general3A_73 {offsets = [0, 128], sizes = [1024, 128], strides = [1, 1]} : vector<1024x256xf32> to vector<1024x128xf32>
    %add3A_112 = arith.addf %slice3A_110, %slice3A_111 : vector<1024x128xf32>
    %max3A_113 = arith.maximumf %max3A_109, %add3A_112 : vector<1024x128xf32>
    %slice3A_114 = vector.extract_strided_slice %dot_general3A_73 {offsets = [0, 0], sizes = [1024, 128], strides = [1, 1]} : vector<1024x256xf32> to vector<1024x128xf32>
    %slice3A_115 = vector.extract_strided_slice %dot_general3A_82 {offsets = [0, 128], sizes = [1024, 128], strides = [1, 1]} : vector<1024x256xf32> to vector<1024x128xf32>
    %add3A_116 = arith.addf %slice3A_114, %slice3A_115 : vector<1024x128xf32>
    %max3A_117 = arith.maximumf %max3A_113, %add3A_116 : vector<1024x128xf32>
    %slice3A_118 = vector.extract_strided_slice %dot_general3A_82 {offsets = [0, 0], sizes = [1024, 128], strides = [1, 1]} : vector<1024x256xf32> to vector<1024x128xf32>
    %slice3A_119 = vector.extract_strided_slice %dot_general3A_91 {offsets = [0, 128], sizes = [1024, 128], strides = [1, 1]} : vector<1024x256xf32> to vector<1024x128xf32>
    %add3A_120 = arith.addf %slice3A_118, %slice3A_119 : vector<1024x128xf32>
    %max3A_121 = arith.maximumf %max3A_117, %add3A_120 : vector<1024x128xf32>
    %slice3A_122 = vector.extract_strided_slice %dot_general3A_91 {offsets = [0, 0], sizes = [1024, 128], strides = [1, 1]} : vector<1024x256xf32> to vector<1024x128xf32>
    %slice3A_123 = vector.extract_strided_slice %dot_general3A_100 {offsets = [0, 128], sizes = [1024, 128], strides = [1, 1]} : vector<1024x256xf32> to vector<1024x128xf32>
    %add3A_124 = arith.addf %slice3A_122, %slice3A_123 : vector<1024x128xf32>
    %max3A_125 = arith.maximumf %max3A_121, %add3A_124 : vector<1024x128xf32>
    %get3A_126 = arith.constant 0 : index
    %get3A_127 = arith.constant 0 : index
    %get3A_128 = vector.load %arg9[%get3A_126, %get3A_127] : memref<1x128xf32, #tpu.memory_space<vmem>>, vector<1x128xf32>
    %add3A_129 = vector.broadcast %get3A_128 : vector<1x128xf32> to vector<1024x128xf32>
    %add3A_130 = arith.addf %max3A_125, %add3A_129 : vector<1024x128xf32>
    %iota3A_131 = tpu.iota {dimensions = array<i32: 1>} : vector<1024x64xi32>
    %eq3A_132 = vector.broadcast %get3A_14 : vector<1024x1xi32> to vector<1024x64xi32>
    %eq3A_133 = arith.cmpi eq, %eq3A_132, %iota3A_131 : vector<1024x64xi32>
    %convert_element_type3A_134 = arith.extui %eq3A_133 : vector<1024x64xi1> to vector<1024x64xi32>
    %convert_element_type3A_135 = arith.sitofp %convert_element_type3A_134 : vector<1024x64xi32> to vector<1024x64xf32>
    %convert_element_type3A_136 = arith.truncf %convert_element_type3A_135 : vector<1024x64xf32> to vector<1024x64xbf16>
    %get3A_137 = arith.constant 0 : index
    %get3A_138 = arith.constant 0 : index
    %get3A_139 = vector.load %arg10[%get3A_137, %get3A_138] : memref<64x64xbf16, #tpu.memory_space<vmem>>, vector<64x64xbf16>
    %dot_general3A_140 = arith.constant dense<0.000000e+00> : vector<1024x64xf32>
    %dot_general3A_141 = tpu.matmul %convert_element_type3A_136, %get3A_139, %dot_general3A_140 {dimension_numbers = #tpu.dot_dimension_numbers<[1], [0], [0], [1], [0, 0, 1, 1], [], []>, transpose_lhs_hint = false} : vector<1024x64xbf16>, vector<64x64xbf16>, vector<1024x64xf32> -> vector<1024x64xf32>
    %get3A_142 = arith.constant 0 : index
    %get3A_143 = arith.constant 0 : index
    %get3A_144 = vector.load %arg11[%get3A_142, %get3A_143] : memref<768x768xbf16, #tpu.memory_space<vmem>>, vector<768x768xbf16>
    %dot_general3A_145 = arith.constant dense<0.000000e+00> : vector<1024x768xf32>
    %dot_general3A_146 = tpu.matmul %convert_element_type3A, %get3A_144, %dot_general3A_145 {dimension_numbers = #tpu.dot_dimension_numbers<[1], [0], [0], [1], [0, 0, 1, 1], [], []>, transpose_lhs_hint = false} : vector<1024x768xbf16>, vector<768x768xbf16>, vector<1024x768xf32> -> vector<1024x768xf32>
    %convert_element_type3A_147 = arith.truncf %add3A_130 : vector<1024x128xf32> to vector<1024x128xbf16>
    %get3A_148 = arith.constant 0 : index
    %get3A_149 = arith.constant 0 : index
    %get3A_150 = vector.load %arg12[%get3A_148, %get3A_149] : memref<128x768xbf16, #tpu.memory_space<vmem>>, vector<128x768xbf16>
    %dot_general3A_151 = arith.constant dense<0.000000e+00> : vector<1024x768xf32>
    %dot_general3A_152 = tpu.matmul %convert_element_type3A_147, %get3A_150, %dot_general3A_151 {dimension_numbers = #tpu.dot_dimension_numbers<[1], [0], [0], [1], [0, 0, 1, 1], [], []>, transpose_lhs_hint = false} : vector<1024x128xbf16>, vector<128x768xbf16>, vector<1024x768xf32> -> vector<1024x768xf32>
    %add3A_153 = arith.addf %dot_general3A_146, %dot_general3A_152 : vector<1024x768xf32>
    %get3A_154 = arith.constant 0 : index
    %get3A_155 = arith.constant 0 : index
    %get3A_156 = vector.load %arg13[%get3A_154, %get3A_155] : memref<640x768xbf16, #tpu.memory_space<vmem>>, vector<640x768xbf16>
    %dot_general3A_157 = arith.constant dense<0.000000e+00> : vector<1024x768xf32>
    %dot_general3A_158 = tpu.matmul %convert_element_type3A_8, %get3A_156, %dot_general3A_157 {dimension_numbers = #tpu.dot_dimension_numbers<[1], [0], [0], [1], [0, 0, 1, 1], [], []>, transpose_lhs_hint = false} : vector<1024x640xbf16>, vector<640x768xbf16>, vector<1024x768xf32> -> vector<1024x768xf32>
    %add3A_159 = arith.addf %add3A_153, %dot_general3A_158 : vector<1024x768xf32>
    %convert_element_type3A_160 = arith.truncf %dot_general3A_141 : vector<1024x64xf32> to vector<1024x64xbf16>
    %get3A_161 = arith.constant 0 : index
    %get3A_162 = arith.constant 0 : index
    %get3A_163 = vector.load %arg14[%get3A_161, %get3A_162] : memref<64x768xbf16, #tpu.memory_space<vmem>>, vector<64x768xbf16>
    %dot_general3A_164 = arith.constant dense<0.000000e+00> : vector<1024x768xf32>
    %dot_general3A_165 = tpu.matmul %convert_element_type3A_160, %get3A_163, %dot_general3A_164 {dimension_numbers = #tpu.dot_dimension_numbers<[1], [0], [0], [1], [0, 0, 1, 1], [], []>, transpose_lhs_hint = false} : vector<1024x64xbf16>, vector<64x768xbf16>, vector<1024x768xf32> -> vector<1024x768xf32>
    %add3A_166 = arith.addf %add3A_159, %dot_general3A_165 : vector<1024x768xf32>
    %get3A_167 = arith.constant 0 : index
    %get3A_168 = arith.constant 0 : index
    %get3A_169 = vector.load %arg15[%get3A_167, %get3A_168] : memref<1x768xf32, #tpu.memory_space<vmem>>, vector<1x768xf32>
    %add3A_170 = vector.broadcast %get3A_169 : vector<1x768xf32> to vector<1024x768xf32>
    %add3A_171 = arith.addf %add3A_166, %add3A_170 : vector<1024x768xf32>
    %reduce_sum3A = arith.constant dense<0.000000e+00> : vector<1024xf32>
    %reduce_sum3A_172 = vector.multi_reduction <add>, %add3A_171, %reduce_sum3A [1] : vector<1024x768xf32> to vector<1024xf32>
    %broadcast_in_dim3A = vector.shape_cast %reduce_sum3A_172 : vector<1024xf32> to vector<1024x1xf32>
    %div3A = arith.constant 7.680000e+02 : f32
    %div3A_173 = vector.broadcast %div3A : f32 to vector<1024x1xf32>
    %div3A_174 = arith.divf %broadcast_in_dim3A, %div3A_173 : vector<1024x1xf32>
    %sub3A = vector.broadcast %div3A_174 : vector<1024x1xf32> to vector<1024x768xf32>
    %sub3A_175 = arith.subf %add3A_171, %sub3A : vector<1024x768xf32>
    %mul3A = arith.mulf %sub3A_175, %sub3A_175 : vector<1024x768xf32>
    %reduce_sum3A_176 = arith.constant dense<0.000000e+00> : vector<1024xf32>
    %reduce_sum3A_177 = vector.multi_reduction <add>, %mul3A, %reduce_sum3A_176 [1] : vector<1024x768xf32> to vector<1024xf32>
    %broadcast_in_dim3A_178 = vector.shape_cast %reduce_sum3A_177 : vector<1024xf32> to vector<1024x1xf32>
    %div3A_179 = arith.constant 7.680000e+02 : f32
    %div3A_180 = vector.broadcast %div3A_179 : f32 to vector<1024x1xf32>
    %div3A_181 = arith.divf %broadcast_in_dim3A_178, %div3A_180 : vector<1024x1xf32>
    %add3A_182 = arith.constant 9.99999996E-13 : f32
    %add3A_183 = vector.broadcast %add3A_182 : f32 to vector<1024x1xf32>
    %add3A_184 = arith.addf %div3A_181, %add3A_183 : vector<1024x1xf32>
    %rsqrt3A = math.rsqrt %add3A_184 : vector<1024x1xf32>
    %mul3A_185 = vector.broadcast %rsqrt3A : vector<1024x1xf32> to vector<1024x768xf32>
    %mul3A_186 = arith.mulf %sub3A_175, %mul3A_185 : vector<1024x768xf32>
    %get3A_187 = arith.constant 0 : index
    %get3A_188 = arith.constant 0 : index
    %get3A_189 = vector.load %arg16[%get3A_187, %get3A_188] : memref<1x768xf32, #tpu.memory_space<vmem>>, vector<1x768xf32>
    %mul3A_190 = vector.broadcast %get3A_189 : vector<1x768xf32> to vector<1024x768xf32>
    %mul3A_191 = arith.mulf %mul3A_186, %mul3A_190 : vector<1024x768xf32>
    %get3A_192 = arith.constant 0 : index
    %get3A_193 = arith.constant 0 : index
    %get3A_194 = vector.load %arg17[%get3A_192, %get3A_193] : memref<1x768xf32, #tpu.memory_space<vmem>>, vector<1x768xf32>
    %add3A_195 = vector.broadcast %get3A_194 : vector<1x768xf32> to vector<1024x768xf32>
    %add3A_196 = arith.addf %mul3A_191, %add3A_195 : vector<1024x768xf32>
    %swap3A = arith.constant 0 : index
    %swap3A_197 = arith.constant 0 : index
    %swap3A_198 = vector.load %arg18[%swap3A, %swap3A_197] : memref<1024x768xf32, #tpu.memory_space<vmem>>, vector<1024x768xf32>
    tpu.vector_store %arg18[%swap3A, %swap3A_197], %add3A_196 {strides = array<i32>} : memref<1024x768xf32, #tpu.memory_space<vmem>>, vector<1024x768xf32>,
    return
  }
  func.func @transform_0(%arg0: i32) -> (i32, i32) {
    %c0_i32 = arith.constant 0 : i32
    %c0_i32_0 = arith.constant 0 : i32
    return %arg0, %c0_i32 : i32, i32
  }
  func.func @transform_1(%arg0: i32) -> (i32, i32) {
    %c0_i32 = arith.constant 0 : i32
    %c0_i32_0 = arith.constant 0 : i32
    return %arg0, %c0_i32 : i32, i32
  }
  func.func @transform_2(%arg0: i32) -> (i32, i32) {
    %c0_i32 = arith.constant 0 : i32
    %c0_i32_0 = arith.constant 0 : i32
    return %arg0, %c0_i32 : i32, i32
  }
  func.func @transform_3(%arg0: i32) -> (i32, i32) {
    %c0_i32 = arith.constant 0 : i32
    %c0_i32_0 = arith.constant 0 : i32
    return %arg0, %c0_i32 : i32, i32
  }
  func.func @transform_4(%arg0: i32) -> (i32, i32) {
    %c0_i32 = arith.constant 0 : i32
    %c0_i32_0 = arith.constant 0 : i32
    return %arg0, %c0_i32 : i32, i32
  }
  func.func @transform_5(%arg0: i32) -> (i32, i32) {
    %c0_i32 = arith.constant 0 : i32
    %c0_i32_0 = arith.constant 0 : i32
    %c0_i32_1 = arith.constant 0 : i32
    return %c0_i32, %c0_i32_0 : i32, i32
  }
  func.func @transform_6(%arg0: i32) -> (i32, i32) {
    %c0_i32 = arith.constant 0 : i32
    %c0_i32_0 = arith.constant 0 : i32
    %c0_i32_1 = arith.constant 0 : i32
    return %c0_i32, %c0_i32_0 : i32, i32
  }
  func.func @transform_7(%arg0: i32) -> (i32, i32) {
    %c0_i32 = arith.constant 0 : i32
    %c0_i32_0 = arith.constant 0 : i32
    %c0_i32_1 = arith.constant 0 : i32
    return %c0_i32, %c0_i32_0 : i32, i32
  }
  func.func @transform_8(%arg0: i32) -> (i32, i32) {
    %c0_i32 = arith.constant 0 : i32
    %c0_i32_0 = arith.constant 0 : i32
    %c0_i32_1 = arith.constant 0 : i32
    return %c0_i32, %c0_i32_0 : i32, i32
  }
  func.func @transform_9(%arg0: i32) -> (i32, i32) {
    %c0_i32 = arith.constant 0 : i32
    %c0_i32_0 = arith.constant 0 : i32
    %c0_i32_1 = arith.constant 0 : i32
    return %c0_i32, %c0_i32_0 : i32, i32
  }
  func.func @transform_10(%arg0: i32) -> (i32, i32) {
    %c0_i32 = arith.constant 0 : i32
    %c0_i32_0 = arith.constant 0 : i32
    %c0_i32_1 = arith.constant 0 : i32
    return %c0_i32, %c0_i32_0 : i32, i32
  }
  func.func @transform_11(%arg0: i32) -> (i32, i32) {
    %c0_i32 = arith.constant 0 : i32
    %c0_i32_0 = arith.constant 0 : i32
    %c0_i32_1 = arith.constant 0 : i32
    return %c0_i32, %c0_i32_0 : i32, i32
  }
  func.func @transform_12(%arg0: i32) -> (i32, i32) {
    %c0_i32 = arith.constant 0 : i32
    %c0_i32_0 = arith.constant 0 : i32
    %c0_i32_1 = arith.constant 0 : i32
    return %c0_i32, %c0_i32_0 : i32, i32
  }
  func.func @transform_13(%arg0: i32) -> (i32, i32) {
    %c0_i32 = arith.constant 0 : i32
    %c0_i32_0 = arith.constant 0 : i32
    %c0_i32_1 = arith.constant 0 : i32
    return %c0_i32, %c0_i32_0 : i32, i32
  }
  func.func @transform_14(%arg0: i32) -> (i32, i32) {
    %c0_i32 = arith.constant 0 : i32
    %c0_i32_0 = arith.constant 0 : i32
    %c0_i32_1 = arith.constant 0 : i32
    return %c0_i32, %c0_i32_0 : i32, i32
  }
  func.func @transform_15(%arg0: i32) -> (i32, i32) {
    %c0_i32 = arith.constant 0 : i32
    %c0_i32_0 = arith.constant 0 : i32
    %c0_i32_1 = arith.constant 0 : i32
    return %c0_i32, %c0_i32_0 : i32, i32
  }
  func.func @transform_16(%arg0: i32) -> (i32, i32) {
    %c0_i32 = arith.constant 0 : i32
    %c0_i32_0 = arith.constant 0 : i32
    %c0_i32_1 = arith.constant 0 : i32
    return %c0_i32, %c0_i32_0 : i32, i32
  }
  func.func @transform_17(%arg0: i32) -> (i32, i32) {
    %c0_i32 = arith.constant 0 : i32
    %c0_i32_0 = arith.constant 0 : i32
    return %arg0, %c0_i32 : i32, i32
  }
}

</mosaic_0001>

<sc_bundles>
// kernel: kernel.5.cloned.1.call-start
scs
__scs_entry_jumppad:
0x0: {  	(pc) =	sbr.rel $0x88, $3  }
0x1: {  	(tag) =	ssettag $0x0;
	lr =	simm.s32 $0x1  }
0x2: {  	[smem:$0x3F94] =	sst lr;
	_ =	strace $0xD0000000  }
0x3: {  	_ = 	snop  }
0x4: {  	_ = 	snop  }
0x5: {  	_ = 	snop  }
0x6: {  	_ = 	snop  }
0x7: {  	_ = 	snop  }
__scs_overlays_trampoline_lowered:
0x8: {  	[smem:$0x3FA3] =	sst s0  }
0x9: {  	[smem:$0x3FA4] =	sst s1  }
0xa: {  	[smem:$0x3FA5] =	sst s2  }
0xb: {  	[smem:$0x3FA6] =	sst s3  }
0xc: {  	[smem:$0x3FA7] =	sst s4  }
0xd: {  	[smem:$0x3FA8] =	sst s5  }
0xe: {  	[smem:$0x3FA9] =	sst s6  }
0xf: {  	[smem:$0x3FAA] =	sst s7  }
0x10: {  	[smem:$0x3FAB] =	sst s8  }
0x11: {  	[smem:$0x3FAC] =	sst s9;
	s0 =	simm.s32 @!p0 $0x0  }
0x12: {  	s1 =	sld [smem:$0x3F92];
	s0 =	simm.s32 @p0 $0x1  }
0x13: {  	[smem:$0x3FAD] =	sst s0;
	s0 =	simm.s32 @!p1 $0x0  }
0x14: {  	s2 =	sld [smem:$0x3F91];
	s0 =	simm.s32 @p1 $0x1  }
0x15: {  	[smem:$0x3FAE] =	sst s0;
	s0 =	simm.s32 @!p2 $0x0  }
0x16: {  	s3 =	sld [smem:$0x3FDB];
	s0 =	simm.s32 @p2 $0x1  }
0x17: {  	s4 =	simm.s32 $0x1BF5;
	[smem:$0x3FB0] =	sst s0  }
0x18: {  	s0 =	sld [smem:$0x3F93];
	_ =	swait.ge [sflag:s4], $0x0  }
0x19: {  	s7 =	sld [smem:$0x3F94]  }
0x1a: {  	s8 =	sadd.s32 $0xFFFFE003, lr  }
0x1b: {  	s9 =	sadd.s32 $0xFFFFFEF7, lr;
	s5 =	simm.s32 $0xFFFFFFFF;
	p2 =	slt.u32 s8, $0xFFFFF086  }
0x1c: {  	p1 =	slt.u32 s9, $0xF7A;
	s5 =	simm.s32 @!p2 $0x0  }
0x1d: {  	s5 =	simm.s32 @p1 $0x1;
	p0 =	seq.s32 s7, s2  }
0x1e: {  	s7 =	smul.u32 @!p0 $0xF7A, s2;
	p2 =	seq.s32 @!p0 s5, $0x0  }
0x1f: {  	s9 =	smul.u32 $0xF7A, s1;
	s8 =	simm.s32 @!p0 $0x1BF5;
	p2 =	por !p2, p0  }
0x20: {  	[sflag:s8] =	ssyncset.s32 @!p0 $0xFFFFF086;
	s6 =	sadd.s32 @!p0 s3, s7;
	s7 =	simm.s32 @!p0 $0x108  }
0x21: {  	s3 =	sadd.s32 s3, s9;
	s6 =	sadd.s32 @!p0 $0x88, s6;
	s7 =	simm.s32 @p2 $0x1082  }
0x22: {  	[simem:s7], [sflag:s8] =	dma.local @!p0 [hbm:s6], $0xF7A  }
0x23: {  	s9 =	sor.u32 $0xD0000000, s2;
	s6 =	simm.s32 $0x108;
	_ =	swait.ge @!p0 [sflag:s8], $0x0  }
0x24: {  	s3 =	sadd.s32 $0x88, s3;
	s6 =	simm.s32 @!p1 $0x1082;
	[sflag:s4] =	ssyncset.s32 $0xFFFFF086  }
0x25: {  	[simem:s6], [sflag:s4] =	dma.local [hbm:s3], $0xF7A  }
0x26: {  	[smem:$0x3F94] =	sst s1;
	(tag) =	ssettag s2;
	_ =	strace s9  }
0x27: {  	s1 =	sld [smem:$0x3FA4]  }
0x28: {  	s2 =	sld [smem:$0x3FA5]  }
0x29: {  	s4 =	sld [smem:$0x3FA7]  }
0x2a: {  	p0 =	seq.s32 s5, $0x0;
	s5 =	sld [smem:$0x3FA8]  }
0x2b: {  	s6 =	sld [smem:$0x3FA9]  }
0x2c: {  	s7 =	sld [smem:$0x3FAA]  }
0x2d: {  	s3 =	simm.s32 $0x108;
	s8 =	sld [smem:$0x3FAB]  }
0x2e: {  	s3 =	simm.s32 @!p0 $0x1082;
	s9 =	sld [smem:$0x3FAC]  }
0x2f: {  	lr =	sadd.s32 s0, s3;
	s0 =	sld [smem:$0x3FA3]  }
0x30: {  	s3 =	sld [smem:$0x3FA6]  }
0x31: {  	[smem:$0x3FAF] =	sst s10  }
0x32: {  	s10 =	sld [smem:$0x3FAD];
	_ =	sdelay $0x3  }
0x33: {  	p0 =	seq.s32 s10, $0x1;
	s10 =	sld [smem:$0x3FAF];
	_ =	sdelay $0x3  }
0x34: {  	[smem:$0x3FAF] =	sst s10  }
0x35: {  	s10 =	sld [smem:$0x3FAE];
	_ =	sdelay $0x3  }
0x36: {  	p1 =	seq.s32 s10, $0x1;
	s10 =	sld [smem:$0x3FAF];
	_ =	sdelay $0x3  }
0x37: {  	[smem:$0x3FAF] =	sst s10  }
0x38: {  	s10 =	sld [smem:$0x3FB0]  }
0x39: {  	_ = 	snop;
	(pc) =	sbr.ind lr, $3  }
0x3a: {  	_ = 	snop  }
0x3b: {  	_ = 	snop  }
0x3c: {  	p2 =	seq.s32 s10, $0x1;
	s10 =	sld [smem:$0x3FAF]  }
0x3d: {  	_ =	shalt  }
0x3e: {  	_ =	shalt  }
0x3f: {  	_ =	shalt  }
0x40: {  	_ =	shalt  }
0x41: {  	_ =	shalt  }
0x42: {  	_ =	shalt  }
0x43: {  	_ =	shalt  }
0x44: {  	_ =	shalt  }
0x45: {  	_ =	shalt  }
0x46: {  	_ =	shalt  }
0x47: {  	_ =	shalt  }
0x48: {  	_ =	shalt  }
0x49: {  	_ =	shalt  }
0x4a: {  	_ =	shalt  }
0x4b: {  	_ =	shalt  }
0x4c: {  	_ =	shalt  }
0x4d: {  	_ =	shalt  }
0x4e: {  	_ =	shalt  }
0x4f: {  	_ =	shalt  }
0x50: {  	_ =	shalt  }
0x51: {  	_ =	shalt  }
0x52: {  	_ =	shalt  }
0x53: {  	_ =	shalt  }
0x54: {  	_ =	shalt  }
0x55: {  	_ =	shalt  }
0x56: {  	_ =	shalt  }
0x57: {  	_ =	shalt  }
0x58: {  	_ =	shalt  }
0x59: {  	_ =	shalt  }
0x5a: {  	_ =	shalt  }
0x5b: {  	_ =	shalt  }
0x5c: {  	_ =	shalt  }
0x5d: {  	_ =	shalt  }
0x5e: {  	_ =	shalt  }
0x5f: {  	_ =	shalt  }
0x60: {  	_ =	shalt  }
0x61: {  	_ =	shalt  }
0x62: {  	_ =	shalt  }
0x63: {  	_ =	shalt  }
0x64: {  	_ =	shalt  }
0x65: {  	_ =	shalt  }
0x66: {  	_ =	shalt  }
0x67: {  	_ =	shalt  }
0x68: {  	_ =	shalt  }
0x69: {  	_ =	shalt  }
0x6a: {  	_ =	shalt  }
0x6b: {  	_ =	shalt  }
0x6c: {  	_ =	shalt  }
0x6d: {  	_ =	shalt  }
0x6e: {  	_ =	shalt  }
0x6f: {  	_ =	shalt  }
0x70: {  	_ =	shalt  }
0x71: {  	_ =	shalt  }
0x72: {  	_ =	shalt  }
0x73: {  	_ =	shalt  }
0x74: {  	_ =	shalt  }
0x75: {  	_ =	shalt  }
0x76: {  	_ =	shalt  }
0x77: {  	_ =	shalt  }
0x78: {  	_ =	shalt  }
0x79: {  	_ =	shalt  }
0x7a: {  	_ =	shalt  }
0x7b: {  	_ =	shalt  }
0x7c: {  	_ =	shalt  }
0x7d: {  	_ =	shalt  }
0x7e: {  	_ =	shalt  }
0x7f: {  	_ =	shalt  }
0x80: {  	_ =	shalt  }
0x81: {  	_ =	shalt  }
0x82: {  	_ =	shalt  }
0x83: {  	_ =	shalt  }
0x84: {  	_ =	shalt  }
0x85: {  	_ =	shalt  }
0x86: {  	_ =	shalt  }
0x87: {  	_ =	shalt  }
.Lfunc_end0:
.L_simem_size_0:
called_computation_lowered:
.L_overlay_start_0:
0x88: {  	s2 =	sld [smem:$0x3FD9]  }
0x89: {  	s3 =	sld [smem:$0x3FFE];
	_ =	sdelay $0x1  }
0x8a: {  	s1 =	srdreg.scid  }
0x8b: {  	s0 =	sand.u32 $0x1, s1  }
0x8c: {  	s17 =	sshll.u32 s0, $0xA;
	s2 =	sadd.s32 s3, s2  }
0x8d: {  	s2 =	sadd.s32 s2, s17  }
0x8e: {  	[smem:$0x3FBB] =	sst s2  }
0x8f: {  	_ = 	snop  }
0x90: {  	s2 =	sld [smem:$0x3FD0];
	(tm) =	ssettm $0x1  }
0x91: {  	s18 =	sld [smem:$0x3FFB];
	_ =	sdelay $0x3  }
0x92: {  	_ =	strace s18  }
0x93: {  	s3 =	sld [smem:$0x3FFC];
	_ =	sdelay $0x3  }
0x94: {  	_ =	strace s3  }
0x95: {  	s3 =	sld [smem:$0x3FFD];
	_ =	sdelay $0x3  }
0x96: {  	_ =	strace s3  }
0x97: {  	_ =	strace $0x8FFFFFFF  }
0x98: {  	s19 =	sld [smem:$0x3FDB];
	_ =	sdelay $0x1  }
0x99: {  	s4 =	simm.s32 $_scs_section_size  }
0x9a: {  	s5 =	simm.s32 $_size__tile_overlayer_lowered;
	s6 =	simm.s32 $_tile_overlayer_lowered  }
0x9b: {  	s22 =	simm.s32 $0x1BFF;
	s21 =	sshll.u32 s6, $0x1;
	s3 =	sadd.s32 s4, s19  }
0x9c: {  	s7 =	simm.s32 $0x0;
	s20 =	sshll.u32 s5, $0x1;
	s5 =	sadd.s32 s21, s3  }
0x9d: {  	[timem:s7], [sflag:s22] =	dma.local [hbm:s5], s20  }
0x9e: {  	_ =	swait.ge [sflag:s22], s20  }
0x9f: {  	s4 =	ssub.s32 $0x0, s20;
	[sflag:s22] =	ssyncset.done $0x0  }
0xa0: {  	[sflag:s22] =	ssyncadd.s32 s4;
	_ =	sdelay $0x1  }
0xa1: {  	s23 =	simm.s32 $0x1B8B  }
0xa2: {  	_ =	swait.ge [sflag:s23], $0x1  }
0xa3: {  	[sflag:s23] =	ssyncset.done $0x0  }
0xa4: {  	s25 =	simm.s32 $0x1B8E;
	s24 =	sld [smem:$0x3FFE];
	[sflag:s23] =	ssyncadd.s32 $0xFFFFFFFF  }
0xa5: {  	s26 =	simm.s32 $execute0_lowered;
	[smem:$0x3FD2] =	sst s25  }
0xa6: {  	s5 =	sshll.u32 s26, $0x1;
	_ =	strace $0x80000046;
	[dreg:$0x1] =	wrdreg $0xFFFFFFFF  }
0xa7: {  	s28 =	simm.s32 $_size_execute0_lowered;
	s3 =	sadd.s32 s3, s5;
	[dreg:$0x0] =	wrdreg $0x0  }
0xa8: {  	s5 =	sshll.u32 s28, $0x1;
	[dreg:$0x2] =	wrdreg s3  }
0xa9: {  	[dreg:$0x3] =	wrdreg s5  }
0xaa: {  	[dreg:$0x4] =	wrdreg $0xC0  }
0xab: {  	_ =	task [dreg:s7], $0x5FFFF  }
0xac: {  	[dreg:$0x1] =	wrdreg $0xFFFFFFFF  }
0xad: {  	[dreg:$0x0] =	wrdreg $0x60  }
0xae: {  	[dreg:$0x2] =	wrdreg s24  }
0xaf: {  	[dreg:$0x3] =	wrdreg s2  }
0xb0: {  	[dreg:$0x4] =	wrdreg $0x9  }
0xb1: {  	_ =	task.clear_ibuf [dreg:s7], $0x5FFFF;
	_ =	strace $0x90000046  }
0xb2: {  	s29 =	simm.s32 $0x9;
	_ =	strace $0x80000048  }
0xb3: {  	_ =	swait.ge [sflag:s29], $0x1  }
0xb4: {  	[sflag:s29] =	ssyncadd.s32 $0xFFFFFFFF  }
0xb5: {  	_ =	strace $0x90000048  }
0xb6: {  	_ =	sfence  }
0xb7: {  	s30 =	sld [smem:$0x0];
	_ =	sdelay $0x2  }
0xb8: {  	s31 =	sshll.u32 s1, $0xD;
	s1 =	sshrl.u32 s1, $0x2  }
0xb9: {  	s3 =	sand.u32 $0x4000, s31;
	s1 =	sadd.s32 s1, s30  }
0xba: {  	s0 =	sor.u32 s3, s0;
	s1 =	sshll.u32 s1, $0x11  }
0xbb: {  	s0 =	sor.u32 s1, s0  }
0xbc: {  	s0 =	sadd.s32 $0x8F2B, s0  }
0xbd: {  	[sflag:s0] =	ssyncadd.remote.s32 $0x1  }
0xbe: {  	_ =	sfence.sel $0xFFFF  }
0xbf: {  	[dreg:$0x0] =	wrdreg $0xFFFFFFFF;
	(pc) =	sbr.abs _section_cstart, $3  }
0xc0: {  	[dreg:$0x1] =	wrdreg $0xFFFFFFFF  }
0xc1: {  	_ =	task.clear_ibuf [dreg:s7], $0x2FFFF;
	_ =	strace $0x9FFFFFFF  }
0xc2: {  	(tm) =	ssettm $0x7FFFFFFF  }
0xc3: {  	_ =	shalt  }
tec
execute0_lowered:
.L_overlay_start_1:
0x0: {  	(tag) =	ssettag $0x1  }
0x1: {  	s0 =	rddreg [dreg:$0x0];
	s1 =	srdreg.scid  }
0x2: {  	s4 =	stileid.u32;
	s3 =	simm.s32 $0x0;
	s24 =	simm.s32 $0x80  }
0x3: {  	s25 =	simm.s32 $0x100;
	s26 =	simm.s32 $0x180;
	s28 =	simm.s32 $0x2  }
0x4: {  	s30 =	simm.s32 $0x1200;
	s31 =	simm.s32 $0x1A00;
	s2 =	simm.s32 $0x2200  }
0x5: {  	s11 =	simm.s32 $0x4200;
	s29 =	simm.s32 $0x10200;
	s1 =	sand.u32 $0x1, s1  }
0x6: {  	s4 =	sshll.u32 s4, $0x1;
	[smem:$0x7FF] =	sst s3;
	s7 =	sadd.s32 $0x1E9200, s0  }
0x7: {  	s8 =	sadd.s32 $0x1C9200, s0;
	_ =	strace $0x80000047;
	[dreg:$0xc] =	wrdreg s24  }
0x8: {  	s5 =	sor.u32 s1, s4;
	s1 =	ssub.s32 $0x2, s1;
	[dreg:$0xd] =	wrdreg s25  }
0x9: {  	[dreg:$0xe] =	wrdreg s26;
	s26 =	simm.s32 $0x1;
	s24 =	simm.s32 $0x200  }
0xa: {  	s25 =	simm.s32 $0x40;
	s4 =	sshll.u32 s5, $0x6;
	s12 =	sshll.u32 s5, $0xE  }
0xb: {  	s9 =	sshll.u32 s5, $0x5;
	s5 =	sshll.u32 s5, $0xC;
	s23 =	sshrl.u32 s1, $0x1  }
0xc: {  	s6 =	sadd.s32 s4, s0;
	s4 =	sadd.s32 $0x2A00, s0;
	s10 =	sor.u32 $0x8, s9  }
0xd: {  	s5 =	sadd.s32 s8, s5;
	s17 =	sor.u32 $0x10, s9;
	s9 =	sor.u32 $0x18, s9  }
0xe: {  	s1 =	ssub.s32 s1, s23;
	s23 =	simm.s32 $0xA00;
	s6 =	sadd.s32 $0x1C8A00, s6  }
0xf: {  	s13 =	sshll.u32 s10, $0x9;
	[dreg:$0x5] =	wrdreg s5;
	s15 =	sshll.u32 s10, $0x7  }
0x10: {  	s18 =	sshll.u32 s17, $0x9;
	s20 =	sshll.u32 s9, $0x9;
	s22 =	sshll.u32 s9, $0x7  }
0x11: {  	s9 =	simm.s32 $0x3200;
	s10 =	simm.s32 $0x3A00;
	[dreg:$0x3] =	wrdreg s6  }
0x12: {  	s6 =	sadd.s32 s7, s12;
	s14 =	sadd.s32 s7, s13;
	s16 =	sadd.s32 s8, s15  }
0x13: {  	s5 =	sadd.s32 s7, s18;
	s21 =	sadd.s32 s7, s20;
	[dreg:$0x4] =	wrdreg s6  }
0x14: {  	s7 =	simm.s32 $0x3;
	s12 =	simm.s32 $0x4A00;
	[dreg:$0x6] =	wrdreg s14  }
0x15: {  	s13 =	simm.s32 $0x5200;
	s15 =	simm.s32 $0x6200;
	[dreg:$0x7] =	wrdreg s16  }
0x16: {  	s18 =	simm.s32 $0x7A00;
	s20 =	simm.s32 $0x8200;
	[dreg:$0x8] =	wrdreg s5  }
0x17: {  	s6 =	sshll.u32 s17, $0x7;
	[dreg:$0xa] =	wrdreg s21;
	s5 =	sadd.s32 $0x2B00, s0  }
0x18: {  	v2 =	vlaneseq.u32;
	s14 =	simm.s32 $0x5A00;
	s16 =	simm.s32 $0x6A00;
	s19 =	sadd.s32 s8, s6  }
0x19: {  	vm0 =	vmmov $0xffff;
	v1 =	vshrl.u32 v2, $0x3;
	s17 =	simm.s32 $0x7200;
	s6 =	sadd.s32 s8, s22;
	[dreg:$0x9] =	wrdreg s19  }
0x1a: {  	v0 =	vand.u32 $0x7, v2;
	v2 =	vor.u32 $0x8, v2;
	v1 =	vmul.u32 $0x8, v1;
	[dreg:$0xb] =	wrdreg s6;
	s6 =	smax.u32 s1, $0x1;
	s19 =	simm.s32 $0x8A00  }
.LBB2_1:
0x1b: {  	s21 =	rddreg [dreg:$0x3]  }
0x1c: {  	[tilespmem:s3], [sflag:$0x3] =	stream.linear.gather [hbm4b:s21+s3], $0x200, $0x38;
	[tilespmem:$0x14200] =	vst v63  }
0x1d: {  	_ =	swait.ge [sflag:s7], $0x200  }
0x1e: {  	[sflag:s7] =	ssyncset.done $0x0  }
0x1f: {  	[sflag:s7] =	ssyncadd.s32 $0xFFFFFE00  }
0x20: {  	v3 =	vld [tilespmem:$0x0];
	_ =	sdelay $0x4  }
0x21: {  	v4 =	vshrl.u32 v3, $0x3  }
0x22: {  	v4 =	vmul.u32 $0x28, v4  }
0x23: {  	v3 =	vand.u32 $0x7, v3  }
0x24: {  	v3 =	vor.u32 v3, v4  }
0x25: {  	v4 =	vperm.xlane v3, v0;
	_ =	sdelay $0x1  }
0x26: {  	v4 =	vadd.s32 v1, v4;
	_ =	sdelay $0x1  }
0x27: {  	v3 =	vperm.xlane v3, v2;
	_ =	sdelay $0x1  }
0x28: {  	v3 =	vadd.s32 v1, v3  }
0x29: {  	[tilespmem:s24], [sflag:$0x1] =	stream.indirect_vreg.gather [hbm4b:s4+s3], $0x80, v4, vm0, $0xb8;
	[tilespmem:$0x14200] =	vst v63  }
0x2a: {  	_ = 	snop  }
0x2b: {  	[tilespmem:s23], [sflag:$0x1] =	stream.indirect_vreg.gather [hbm4b:s5+s3], $0x80, v4, vm0, $0xb8;
	[tilespmem:$0x14200] =	vst v63  }
0x2c: {  	_ = 	snop  }
0x2d: {  	[tilespmem:s30], [sflag:$0x1] =	stream.indirect_vreg.gather [hbm4b:s4+s3], $0x80, v3, vm0, $0xb8;
	[tilespmem:$0x14200] =	vst v63  }
0x2e: {  	_ = 	snop  }
0x2f: {  	[tilespmem:s31], [sflag:$0x1] =	stream.indirect_vreg.gather [hbm4b:s5+s3], $0x80, v3, vm0, $0xb8;
	[tilespmem:$0x14200] =	vst v63  }
0x30: {  	v3 =	vld [tilespmem:$0x10];
	_ =	sdelay $0x4  }
0x31: {  	v49 =	vshrl.u32 v3, $0x3  }
0x32: {  	v4 =	vmul.u32 $0x28, v49  }
0x33: {  	v3 =	vand.u32 $0x7, v3  }
0x34: {  	v3 =	vor.u32 v3, v4  }
0x35: {  	v4 =	vperm.xlane v3, v0;
	_ =	sdelay $0x1  }
0x36: {  	v4 =	vadd.s32 v1, v4;
	_ =	sdelay $0x1  }
0x37: {  	v3 =	vperm.xlane v3, v2;
	_ =	sdelay $0x1  }
0x38: {  	v3 =	vadd.s32 v1, v3  }
0x39: {  	[tilespmem:s2], [sflag:$0x1] =	stream.indirect_vreg.gather [hbm4b:s4+s3], $0x80, v4, vm0, $0xb8;
	[tilespmem:$0x14200] =	vst v63  }
0x3a: {  	s1 =	simm.s32 $0x2A00  }
0x3b: {  	[tilespmem:s1], [sflag:$0x1] =	stream.indirect_vreg.gather [hbm4b:s5+s3], $0x80, v4, vm0, $0xb8;
	[tilespmem:$0x14200] =	vst v63  }
0x3c: {  	_ = 	snop  }
0x3d: {  	[tilespmem:s9], [sflag:$0x1] =	stream.indirect_vreg.gather [hbm4b:s4+s3], $0x80, v3, vm0, $0xb8;
	[tilespmem:$0x14200] =	vst v63  }
0x3e: {  	_ = 	snop  }
0x3f: {  	[tilespmem:s10], [sflag:$0x1] =	stream.indirect_vreg.gather [hbm4b:s5+s3], $0x80, v3, vm0, $0xb8;
	[tilespmem:$0x14200] =	vst v63  }
0x40: {  	v3 =	vld [tilespmem:$0x20];
	_ =	sdelay $0x4  }
0x41: {  	v50 =	vshrl.u32 v3, $0x3  }
0x42: {  	v4 =	vmul.u32 $0x28, v50  }
0x43: {  	v3 =	vand.u32 $0x7, v3  }
0x44: {  	v3 =	vor.u32 v3, v4  }
0x45: {  	v4 =	vperm.xlane v3, v0;
	_ =	sdelay $0x1  }
0x46: {  	v4 =	vadd.s32 v1, v4;
	_ =	sdelay $0x1  }
0x47: {  	v3 =	vperm.xlane v3, v2;
	_ =	sdelay $0x1  }
0x48: {  	v3 =	vadd.s32 v1, v3  }
0x49: {  	[tilespmem:s11], [sflag:$0x1] =	stream.indirect_vreg.gather [hbm4b:s4+s3], $0x80, v4, vm0, $0xb8;
	[tilespmem:$0x14200] =	vst v63  }
0x4a: {  	_ = 	snop  }
0x4b: {  	[tilespmem:s12], [sflag:$0x1] =	stream.indirect_vreg.gather [hbm4b:s5+s3], $0x80, v4, vm0, $0xb8;
	[tilespmem:$0x14200] =	vst v63  }
0x4c: {  	_ = 	snop  }
0x4d: {  	[tilespmem:s13], [sflag:$0x1] =	stream.indirect_vreg.gather [hbm4b:s4+s3], $0x80, v3, vm0, $0xb8;
	[tilespmem:$0x14200] =	vst v63  }
0x4e: {  	_ = 	snop  }
0x4f: {  	[tilespmem:s14], [sflag:$0x1] =	stream.indirect_vreg.gather [hbm4b:s5+s3], $0x80, v3, vm0, $0xb8;
	[tilespmem:$0x14200] =	vst v63  }
0x50: {  	v3 =	vld [tilespmem:$0x30];
	_ =	sdelay $0x4  }
0x51: {  	v51 =	vshrl.u32 v3, $0x3  }
0x52: {  	v4 =	vmul.u32 $0x28, v51  }
0x53: {  	v3 =	vand.u32 $0x7, v3  }
0x54: {  	v3 =	vor.u32 v3, v4  }
0x55: {  	v4 =	vperm.xlane v3, v0;
	_ =	sdelay $0x1  }
0x56: {  	v4 =	vadd.s32 v1, v4;
	_ =	sdelay $0x1  }
0x57: {  	v3 =	vperm.xlane v3, v2;
	_ =	sdelay $0x1  }
0x58: {  	v3 =	vadd.s32 v1, v3  }
0x59: {  	[tilespmem:s15], [sflag:$0x1] =	stream.indirect_vreg.gather [hbm4b:s4+s3], $0x80, v4, vm0, $0xb8;
	[tilespmem:$0x14200] =	vst v63  }
0x5a: {  	_ = 	snop  }
0x5b: {  	[tilespmem:s16], [sflag:$0x1] =	stream.indirect_vreg.gather [hbm4b:s5+s3], $0x80, v4, vm0, $0xb8;
	[tilespmem:$0x14200] =	vst v63  }
0x5c: {  	_ = 	snop  }
0x5d: {  	[tilespmem:s17], [sflag:$0x1] =	stream.indirect_vreg.gather [hbm4b:s4+s3], $0x80, v3, vm0, $0xb8;
	[tilespmem:$0x14200] =	vst v63  }
0x5e: {  	_ = 	snop  }
0x5f: {  	[tilespmem:s18], [sflag:$0x1] =	stream.indirect_vreg.gather [hbm4b:s5+s3], $0x80, v3, vm0, $0xb8;
	[tilespmem:$0x14200] =	vst v63  }
0x60: {  	s8 =	rddreg [dreg:$0x1]  }
0x61: {  	[tilespmem:s29], [sflag:$0x2] =	stream.indirect.gather [hbm4b:s8+s25], $0x80, s3, s25, $0xb8;
	[tilespmem:$0x14200] =	vst v63  }
0x62: {  	_ =	swait.ge [sflag:s26], $0x8000  }
0x63: {  	[sflag:s26] =	ssyncset.done $0x0  }
0x64: {  	[sflag:s26] =	ssyncadd.s32 $0xFFFF8000  }
0x65: {  	_ =	swait.ge [sflag:s28], $0x2000  }
0x66: {  	[sflag:s28] =	ssyncset.done $0x0  }
0x67: {  	[sflag:s28] =	ssyncadd.s32 $0xFFFFE000  }
0x68: {  	v3 =	vld [tilespmem:$0x80];
	_ =	sdelay $0x4  }
0x69: {  	v52 =	vshrl.u32 v3, $0x3  }
0x6a: {  	v4 =	vmul.u32 $0x28, v52  }
0x6b: {  	v3 =	vand.u32 $0x7, v3  }
0x6c: {  	v3 =	vor.u32 v3, v4  }
0x6d: {  	v4 =	vperm.xlane v3, v0;
	_ =	sdelay $0x1  }
0x6e: {  	v4 =	vadd.s32 v1, v4;
	_ =	sdelay $0x1  }
0x6f: {  	v3 =	vperm.xlane v3, v2;
	_ =	sdelay $0x1  }
0x70: {  	v3 =	vadd.s32 v1, v3  }
0x71: {  	[tilespmem:s20], [sflag:$0x1] =	stream.indirect_vreg.gather [hbm4b:s4+s3], $0x80, v4, vm0, $0xb8;
	[tilespmem:$0x14200] =	vst v63  }
0x72: {  	_ = 	snop  }
0x73: {  	[tilespmem:s19], [sflag:$0x1] =	stream.indirect_vreg.gather [hbm4b:s5+s3], $0x80, v4, vm0, $0xb8;
	[tilespmem:$0x14200] =	vst v63  }
0x74: {  	s0 =	simm.s32 $0x9200  }
0x75: {  	[tilespmem:s0], [sflag:$0x1] =	stream.indirect_vreg.gather [hbm4b:s4+s3], $0x80, v3, vm0, $0xb8;
	[tilespmem:$0x14200] =	vst v63  }
0x76: {  	s22 =	simm.s32 $0x9A00  }
0x77: {  	[tilespmem:s22], [sflag:$0x1] =	stream.indirect_vreg.gather [hbm4b:s5+s3], $0x80, v3, vm0, $0xb8;
	[tilespmem:$0x14200] =	vst v63  }
0x78: {  	v3 =	vld [tilespmem:$0x90];
	_ =	sdelay $0x4  }
0x79: {  	v53 =	vshrl.u32 v3, $0x3  }
0x7a: {  	v4 =	vmul.u32 $0x28, v53  }
0x7b: {  	v3 =	vand.u32 $0x7, v3  }
0x7c: {  	v3 =	vor.u32 v3, v4  }
0x7d: {  	v4 =	vperm.xlane v3, v0;
	_ =	sdelay $0x1  }
0x7e: {  	v4 =	vadd.s32 v1, v4;
	_ =	sdelay $0x1  }
0x7f: {  	v3 =	vperm.xlane v3, v2;
	_ =	sdelay $0x1  }
0x80: {  	s21 =	simm.s32 $0xA200;
	v3 =	vadd.s32 v1, v3  }
0x81: {  	[tilespmem:s21], [sflag:$0x1] =	stream.indirect_vreg.gather [hbm4b:s4+s3], $0x80, v4, vm0, $0xb8;
	[tilespmem:$0x14200] =	vst v63  }
0x82: {  	s22 =	simm.s32 $0xAA00  }
0x83: {  	[tilespmem:s22], [sflag:$0x1] =	stream.indirect_vreg.gather [hbm4b:s5+s3], $0x80, v4, vm0, $0xb8;
	[tilespmem:$0x14200] =	vst v63  }
0x84: {  	s21 =	simm.s32 $0xB200  }
0x85: {  	[tilespmem:s21], [sflag:$0x1] =	stream.indirect_vreg.gather [hbm4b:s4+s3], $0x80, v3, vm0, $0xb8;
	[tilespmem:$0x14200] =	vst v63  }
0x86: {  	s22 =	simm.s32 $0xBA00  }
0x87: {  	[tilespmem:s22], [sflag:$0x1] =	stream.indirect_vreg.gather [hbm4b:s5+s3], $0x80, v3, vm0, $0xb8;
	[tilespmem:$0x14200] =	vst v63  }
0x88: {  	v3 =	vld [tilespmem:$0xA0];
	_ =	sdelay $0x4  }
0x89: {  	v54 =	vshrl.u32 v3, $0x3  }
0x8a: {  	v4 =	vmul.u32 $0x28, v54  }
0x8b: {  	v3 =	vand.u32 $0x7, v3  }
0x8c: {  	v3 =	vor.u32 v3, v4  }
0x8d: {  	v4 =	vperm.xlane v3, v0;
	_ =	sdelay $0x1  }
0x8e: {  	v4 =	vadd.s32 v1, v4;
	_ =	sdelay $0x1  }
0x8f: {  	v3 =	vperm.xlane v3, v2;
	_ =	sdelay $0x1  }
0x90: {  	s21 =	simm.s32 $0xC200;
	v3 =	vadd.s32 v1, v3  }
0x91: {  	[tilespmem:s21], [sflag:$0x1] =	stream.indirect_vreg.gather [hbm4b:s4+s3], $0x80, v4, vm0, $0xb8;
	[tilespmem:$0x14200] =	vst v63  }
0x92: {  	s22 =	simm.s32 $0xCA00  }
0x93: {  	[tilespmem:s22], [sflag:$0x1] =	stream.indirect_vreg.gather [hbm4b:s5+s3], $0x80, v4, vm0, $0xb8;
	[tilespmem:$0x14200] =	vst v63  }
0x94: {  	s21 =	simm.s32 $0xD200  }
0x95: {  	[tilespmem:s21], [sflag:$0x1] =	stream.indirect_vreg.gather [hbm4b:s4+s3], $0x80, v3, vm0, $0xb8;
	[tilespmem:$0x14200] =	vst v63  }
0x96: {  	s22 =	simm.s32 $0xDA00  }
0x97: {  	[tilespmem:s22], [sflag:$0x1] =	stream.indirect_vreg.gather [hbm4b:s5+s3], $0x80, v3, vm0, $0xb8;
	[tilespmem:$0x14200] =	vst v63  }
0x98: {  	v3 =	vld [tilespmem:$0xB0];
	_ =	sdelay $0x4  }
0x99: {  	v55 =	vshrl.u32 v3, $0x3  }
0x9a: {  	v4 =	vmul.u32 $0x28, v55  }
0x9b: {  	v3 =	vand.u32 $0x7, v3  }
0x9c: {  	v3 =	vor.u32 v3, v4  }
0x9d: {  	v4 =	vperm.xlane v3, v0;
	_ =	sdelay $0x1  }
0x9e: {  	v4 =	vadd.s32 v1, v4;
	_ =	sdelay $0x1  }
0x9f: {  	v3 =	vperm.xlane v3, v2;
	_ =	sdelay $0x1  }
0xa0: {  	s21 =	simm.s32 $0xE200;
	v3 =	vadd.s32 v1, v3  }
0xa1: {  	[tilespmem:s21], [sflag:$0x1] =	stream.indirect_vreg.gather [hbm4b:s4+s3], $0x80, v4, vm0, $0xb8;
	[tilespmem:$0x14200] =	vst v63  }
0xa2: {  	s22 =	simm.s32 $0xEA00  }
0xa3: {  	[tilespmem:s22], [sflag:$0x1] =	stream.indirect_vreg.gather [hbm4b:s5+s3], $0x80, v4, vm0, $0xb8;
	[tilespmem:$0x14200] =	vst v63  }
0xa4: {  	s21 =	simm.s32 $0xF200  }
0xa5: {  	[tilespmem:s21], [sflag:$0x1] =	stream.indirect_vreg.gather [hbm4b:s4+s3], $0x80, v3, vm0, $0xb8;
	[tilespmem:$0x14200] =	vst v63  }
0xa6: {  	s22 =	simm.s32 $0xFA00  }
0xa7: {  	[tilespmem:s22], [sflag:$0x1] =	stream.indirect_vreg.gather [hbm4b:s5+s3], $0x80, v3, vm0, $0xb8;
	[tilespmem:$0x14200] =	vst v63  }
0xa8: {  	s0 =	simm.s32 $0x12200;
	s21 =	rddreg [dreg:$0xc]  }
0xa9: {  	[tilespmem:s0], [sflag:$0x2] =	stream.indirect.gather [hbm4b:s8+s25], $0x80, s21, s25, $0xb8;
	[tilespmem:$0x14200] =	vst v63  }
0xaa: {  	s22 =	rddreg [dreg:$0x4]  }
0xab: {  	[hbm4b:s22+s3] =	stream.linear.scatter [tilespmem:s24], [sflag:$0x3], $0x8000, $0x38;
	[tilespmem:$0x14200] =	vst v63  }
0xac: {  	_ =	swait.ge [sflag:s7], $0x8000  }
0xad: {  	[sflag:s7] =	ssyncset.done $0x0  }
0xae: {  	s22 =	rddreg [dreg:$0x5];
	[sflag:s7] =	ssyncadd.s32 $0xFFFF8000  }
0xaf: {  	[hbm4b:s22+s3] =	stream.linear.scatter [tilespmem:s29], [sflag:$0x3], $0x2000, $0x38;
	[tilespmem:$0x14200] =	vst v63  }
0xb0: {  	_ =	swait.ge [sflag:s7], $0x2000  }
0xb1: {  	[sflag:s7] =	ssyncset.done $0x0  }
0xb2: {  	[sflag:s7] =	ssyncadd.s32 $0xFFFFE000  }
0xb3: {  	_ =	swait.ge [sflag:s26], $0x8000  }
0xb4: {  	[sflag:s26] =	ssyncset.done $0x0  }
0xb5: {  	[sflag:s26] =	ssyncadd.s32 $0xFFFF8000  }
0xb6: {  	_ =	swait.ge [sflag:s28], $0x2000  }
0xb7: {  	[sflag:s28] =	ssyncset.done $0x0  }
0xb8: {  	[sflag:s28] =	ssyncadd.s32 $0xFFFFE000  }
0xb9: {  	v3 =	vld [tilespmem:$0x100];
	_ =	sdelay $0x4  }
0xba: {  	v56 =	vshrl.u32 v3, $0x3  }
0xbb: {  	v4 =	vmul.u32 $0x28, v56  }
0xbc: {  	v3 =	vand.u32 $0x7, v3  }
0xbd: {  	v3 =	vor.u32 v3, v4  }
0xbe: {  	v4 =	vperm.xlane v3, v0;
	_ =	sdelay $0x1  }
0xbf: {  	v4 =	vadd.s32 v1, v4;
	_ =	sdelay $0x1  }
0xc0: {  	v3 =	vperm.xlane v3, v2;
	_ =	sdelay $0x1  }
0xc1: {  	v3 =	vadd.s32 v1, v3  }
0xc2: {  	[tilespmem:s24], [sflag:$0x1] =	stream.indirect_vreg.gather [hbm4b:s4+s3], $0x80, v4, vm0, $0xb8;
	[tilespmem:$0x14200] =	vst v63  }
0xc3: {  	_ = 	snop  }
0xc4: {  	[tilespmem:s23], [sflag:$0x1] =	stream.indirect_vreg.gather [hbm4b:s5+s3], $0x80, v4, vm0, $0xb8;
	[tilespmem:$0x14200] =	vst v63  }
0xc5: {  	_ = 	snop  }
0xc6: {  	[tilespmem:s30], [sflag:$0x1] =	stream.indirect_vreg.gather [hbm4b:s4+s3], $0x80, v3, vm0, $0xb8;
	[tilespmem:$0x14200] =	vst v63  }
0xc7: {  	_ = 	snop  }
0xc8: {  	[tilespmem:s31], [sflag:$0x1] =	stream.indirect_vreg.gather [hbm4b:s5+s3], $0x80, v3, vm0, $0xb8;
	[tilespmem:$0x14200] =	vst v63  }
0xc9: {  	v3 =	vld [tilespmem:$0x110];
	_ =	sdelay $0x4  }
0xca: {  	v57 =	vshrl.u32 v3, $0x3  }
0xcb: {  	v4 =	vmul.u32 $0x28, v57  }
0xcc: {  	v3 =	vand.u32 $0x7, v3  }
0xcd: {  	v3 =	vor.u32 v3, v4  }
0xce: {  	v4 =	vperm.xlane v3, v0;
	_ =	sdelay $0x1  }
0xcf: {  	v4 =	vadd.s32 v1, v4;
	_ =	sdelay $0x1  }
0xd0: {  	v3 =	vperm.xlane v3, v2;
	_ =	sdelay $0x1  }
0xd1: {  	v3 =	vadd.s32 v1, v3  }
0xd2: {  	[tilespmem:s2], [sflag:$0x1] =	stream.indirect_vreg.gather [hbm4b:s4+s3], $0x80, v4, vm0, $0xb8;
	[tilespmem:$0x14200] =	vst v63  }
0xd3: {  	_ = 	snop  }
0xd4: {  	[tilespmem:s1], [sflag:$0x1] =	stream.indirect_vreg.gather [hbm4b:s5+s3], $0x80, v4, vm0, $0xb8;
	[tilespmem:$0x14200] =	vst v63  }
0xd5: {  	_ = 	snop  }
0xd6: {  	[tilespmem:s9], [sflag:$0x1] =	stream.indirect_vreg.gather [hbm4b:s4+s3], $0x80, v3, vm0, $0xb8;
	[tilespmem:$0x14200] =	vst v63  }
0xd7: {  	_ = 	snop  }
0xd8: {  	[tilespmem:s10], [sflag:$0x1] =	stream.indirect_vreg.gather [hbm4b:s5+s3], $0x80, v3, vm0, $0xb8;
	[tilespmem:$0x14200] =	vst v63  }
0xd9: {  	v3 =	vld [tilespmem:$0x120];
	_ =	sdelay $0x4  }
0xda: {  	v58 =	vshrl.u32 v3, $0x3  }
0xdb: {  	v4 =	vmul.u32 $0x28, v58  }
0xdc: {  	v3 =	vand.u32 $0x7, v3  }
0xdd: {  	v3 =	vor.u32 v3, v4  }
0xde: {  	v4 =	vperm.xlane v3, v0;
	_ =	sdelay $0x1  }
0xdf: {  	v4 =	vadd.s32 v1, v4;
	_ =	sdelay $0x1  }
0xe0: {  	v3 =	vperm.xlane v3, v2;
	_ =	sdelay $0x1  }
0xe1: {  	v3 =	vadd.s32 v1, v3  }
0xe2: {  	[tilespmem:s11], [sflag:$0x1] =	stream.indirect_vreg.gather [hbm4b:s4+s3], $0x80, v4, vm0, $0xb8;
	[tilespmem:$0x14200] =	vst v63  }
0xe3: {  	_ = 	snop  }
0xe4: {  	[tilespmem:s12], [sflag:$0x1] =	stream.indirect_vreg.gather [hbm4b:s5+s3], $0x80, v4, vm0, $0xb8;
	[tilespmem:$0x14200] =	vst v63  }
0xe5: {  	_ = 	snop  }
0xe6: {  	[tilespmem:s13], [sflag:$0x1] =	stream.indirect_vreg.gather [hbm4b:s4+s3], $0x80, v3, vm0, $0xb8;
	[tilespmem:$0x14200] =	vst v63  }
0xe7: {  	_ = 	snop  }
0xe8: {  	[tilespmem:s14], [sflag:$0x1] =	stream.indirect_vreg.gather [hbm4b:s5+s3], $0x80, v3, vm0, $0xb8;
	[tilespmem:$0x14200] =	vst v63  }
0xe9: {  	v3 =	vld [tilespmem:$0x130];
	_ =	sdelay $0x4  }
0xea: {  	v59 =	vshrl.u32 v3, $0x3  }
0xeb: {  	v4 =	vmul.u32 $0x28, v59  }
0xec: {  	v3 =	vand.u32 $0x7, v3  }
0xed: {  	v3 =	vor.u32 v3, v4  }
0xee: {  	v4 =	vperm.xlane v3, v0;
	_ =	sdelay $0x1  }
0xef: {  	v4 =	vadd.s32 v1, v4;
	_ =	sdelay $0x1  }
0xf0: {  	v3 =	vperm.xlane v3, v2;
	_ =	sdelay $0x1  }
0xf1: {  	v3 =	vadd.s32 v1, v3  }
0xf2: {  	[tilespmem:s15], [sflag:$0x1] =	stream.indirect_vreg.gather [hbm4b:s4+s3], $0x80, v4, vm0, $0xb8;
	[tilespmem:$0x14200] =	vst v63  }
0xf3: {  	_ = 	snop  }
0xf4: {  	[tilespmem:s16], [sflag:$0x1] =	stream.indirect_vreg.gather [hbm4b:s5+s3], $0x80, v4, vm0, $0xb8;
	[tilespmem:$0x14200] =	vst v63  }
0xf5: {  	_ = 	snop  }
0xf6: {  	[tilespmem:s17], [sflag:$0x1] =	stream.indirect_vreg.gather [hbm4b:s4+s3], $0x80, v3, vm0, $0xb8;
	[tilespmem:$0x14200] =	vst v63  }
0xf7: {  	_ = 	snop  }
0xf8: {  	[tilespmem:s18], [sflag:$0x1] =	stream.indirect_vreg.gather [hbm4b:s5+s3], $0x80, v3, vm0, $0xb8;
	[tilespmem:$0x14200] =	vst v63  }
0xf9: {  	s22 =	rddreg [dreg:$0xd]  }
0xfa: {  	[tilespmem:s29], [sflag:$0x2] =	stream.indirect.gather [hbm4b:s8+s25], $0x80, s22, s25, $0xb8;
	[tilespmem:$0x14200] =	vst v63  }
0xfb: {  	s1 =	rddreg [dreg:$0x6]  }
0xfc: {  	[hbm4b:s1+s3] =	stream.linear.scatter [tilespmem:s20], [sflag:$0x3], $0x8000, $0x38;
	[tilespmem:$0x14200] =	vst v63  }
0xfd: {  	_ =	swait.ge [sflag:s7], $0x8000  }
0xfe: {  	[sflag:s7] =	ssyncset.done $0x0  }
0xff: {  	s1 =	rddreg [dreg:$0x7];
	[sflag:s7] =	ssyncadd.s32 $0xFFFF8000  }
0x100: {  	[hbm4b:s1+s3] =	stream.linear.scatter [tilespmem:s0], [sflag:$0x3], $0x2000, $0x38;
	[tilespmem:$0x14200] =	vst v63  }
0x101: {  	_ =	swait.ge [sflag:s7], $0x2000  }
0x102: {  	[sflag:s7] =	ssyncset.done $0x0  }
0x103: {  	[sflag:s7] =	ssyncadd.s32 $0xFFFFE000  }
0x104: {  	_ =	swait.ge [sflag:s26], $0x8000  }
0x105: {  	[sflag:s26] =	ssyncset.done $0x0  }
0x106: {  	[sflag:s26] =	ssyncadd.s32 $0xFFFF8000  }
0x107: {  	_ =	swait.ge [sflag:s28], $0x2000  }
0x108: {  	[sflag:s28] =	ssyncset.done $0x0  }
0x109: {  	[sflag:s28] =	ssyncadd.s32 $0xFFFFE000  }
0x10a: {  	v3 =	vld [tilespmem:$0x180];
	_ =	sdelay $0x4  }
0x10b: {  	v60 =	vshrl.u32 v3, $0x3  }
0x10c: {  	v4 =	vmul.u32 $0x28, v60  }
0x10d: {  	v3 =	vand.u32 $0x7, v3  }
0x10e: {  	v3 =	vor.u32 v3, v4  }
0x10f: {  	v4 =	vperm.xlane v3, v0;
	_ =	sdelay $0x1  }
0x110: {  	v4 =	vadd.s32 v1, v4;
	_ =	sdelay $0x1  }
0x111: {  	v3 =	vperm.xlane v3, v2;
	_ =	sdelay $0x1  }
0x112: {  	v3 =	vadd.s32 v1, v3  }
0x113: {  	[tilespmem:s20], [sflag:$0x1] =	stream.indirect_vreg.gather [hbm4b:s4+s3], $0x80, v4, vm0, $0xb8;
	[tilespmem:$0x14200] =	vst v63  }
0x114: {  	_ = 	snop  }
0x115: {  	[tilespmem:s19], [sflag:$0x1] =	stream.indirect_vreg.gather [hbm4b:s5+s3], $0x80, v4, vm0, $0xb8;
	[tilespmem:$0x14200] =	vst v63  }
0x116: {  	s21 =	simm.s32 $0x9200  }
0x117: {  	[tilespmem:s21], [sflag:$0x1] =	stream.indirect_vreg.gather [hbm4b:s4+s3], $0x80, v3, vm0, $0xb8;
	[tilespmem:$0x14200] =	vst v63  }
0x118: {  	s22 =	simm.s32 $0x9A00  }
0x119: {  	[tilespmem:s22], [sflag:$0x1] =	stream.indirect_vreg.gather [hbm4b:s5+s3], $0x80, v3, vm0, $0xb8;
	[tilespmem:$0x14200] =	vst v63  }
0x11a: {  	v3 =	vld [tilespmem:$0x190];
	_ =	sdelay $0x4  }
0x11b: {  	v61 =	vshrl.u32 v3, $0x3  }
0x11c: {  	v4 =	vmul.u32 $0x28, v61  }
0x11d: {  	v3 =	vand.u32 $0x7, v3  }
0x11e: {  	v3 =	vor.u32 v3, v4  }
0x11f: {  	v4 =	vperm.xlane v3, v0;
	_ =	sdelay $0x1  }
0x120: {  	v4 =	vadd.s32 v1, v4;
	_ =	sdelay $0x1  }
0x121: {  	v3 =	vperm.xlane v3, v2;
	_ =	sdelay $0x1  }
0x122: {  	s21 =	simm.s32 $0xA200;
	v3 =	vadd.s32 v1, v3  }
0x123: {  	[tilespmem:s21], [sflag:$0x1] =	stream.indirect_vreg.gather [hbm4b:s4+s3], $0x80, v4, vm0, $0xb8;
	[tilespmem:$0x14200] =	vst v63  }
0x124: {  	s22 =	simm.s32 $0xAA00  }
0x125: {  	[tilespmem:s22], [sflag:$0x1] =	stream.indirect_vreg.gather [hbm4b:s5+s3], $0x80, v4, vm0, $0xb8;
	[tilespmem:$0x14200] =	vst v63  }
0x126: {  	s21 =	simm.s32 $0xB200  }
0x127: {  	[tilespmem:s21], [sflag:$0x1] =	stream.indirect_vreg.gather [hbm4b:s4+s3], $0x80, v3, vm0, $0xb8;
	[tilespmem:$0x14200] =	vst v63  }
0x128: {  	s22 =	simm.s32 $0xBA00  }
0x129: {  	[tilespmem:s22], [sflag:$0x1] =	stream.indirect_vreg.gather [hbm4b:s5+s3], $0x80, v3, vm0, $0xb8;
	[tilespmem:$0x14200] =	vst v63  }
0x12a: {  	v3 =	vld [tilespmem:$0x1A0];
	_ =	sdelay $0x4  }
0x12b: {  	v62 =	vshrl.u32 v3, $0x3  }
0x12c: {  	v4 =	vmul.u32 $0x28, v62  }
0x12d: {  	v3 =	vand.u32 $0x7, v3  }
0x12e: {  	v3 =	vor.u32 v3, v4  }
0x12f: {  	v4 =	vperm.xlane v3, v0;
	_ =	sdelay $0x1  }
0x130: {  	v4 =	vadd.s32 v1, v4;
	_ =	sdelay $0x1  }
0x131: {  	v3 =	vperm.xlane v3, v2;
	_ =	sdelay $0x1  }
0x132: {  	s21 =	simm.s32 $0xC200;
	v3 =	vadd.s32 v1, v3  }
0x133: {  	[tilespmem:s21], [sflag:$0x1] =	stream.indirect_vreg.gather [hbm4b:s4+s3], $0x80, v4, vm0, $0xb8;
	[tilespmem:$0x14200] =	vst v63  }
0x134: {  	s22 =	simm.s32 $0xCA00  }
0x135: {  	[tilespmem:s22], [sflag:$0x1] =	stream.indirect_vreg.gather [hbm4b:s5+s3], $0x80, v4, vm0, $0xb8;
	[tilespmem:$0x14200] =	vst v63  }
0x136: {  	s21 =	simm.s32 $0xD200  }
0x137: {  	[tilespmem:s21], [sflag:$0x1] =	stream.indirect_vreg.gather [hbm4b:s4+s3], $0x80, v3, vm0, $0xb8;
	[tilespmem:$0x14200] =	vst v63  }
0x138: {  	s22 =	simm.s32 $0xDA00  }
0x139: {  	[tilespmem:s22], [sflag:$0x1] =	stream.indirect_vreg.gather [hbm4b:s5+s3], $0x80, v3, vm0, $0xb8;
	[tilespmem:$0x14200] =	vst v63  }
0x13a: {  	v3 =	vld [tilespmem:$0x1B0];
	_ =	sdelay $0x4  }
0x13b: {  	v63 =	vshrl.u32 v3, $0x3  }
0x13c: {  	v4 =	vmul.u32 $0x28, v63  }
0x13d: {  	v3 =	vand.u32 $0x7, v3  }
0x13e: {  	v3 =	vor.u32 v3, v4  }
0x13f: {  	v4 =	vperm.xlane v3, v0;
	_ =	sdelay $0x1  }
0x140: {  	v4 =	vadd.s32 v1, v4;
	_ =	sdelay $0x1  }
0x141: {  	v3 =	vperm.xlane v3, v2;
	_ =	sdelay $0x1  }
0x142: {  	s21 =	simm.s32 $0xE200;
	v3 =	vadd.s32 v1, v3  }
0x143: {  	[tilespmem:s21], [sflag:$0x1] =	stream.indirect_vreg.gather [hbm4b:s4+s3], $0x80, v4, vm0, $0xb8;
	[tilespmem:$0x14200] =	vst v63  }
0x144: {  	s22 =	simm.s32 $0xEA00  }
0x145: {  	[tilespmem:s22], [sflag:$0x1] =	stream.indirect_vreg.gather [hbm4b:s5+s3], $0x80, v4, vm0, $0xb8;
	[tilespmem:$0x14200] =	vst v63  }
0x146: {  	s21 =	simm.s32 $0xF200  }
0x147: {  	[tilespmem:s21], [sflag:$0x1] =	stream.indirect_vreg.gather [hbm4b:s4+s3], $0x80, v3, vm0, $0xb8;
	[tilespmem:$0x14200] =	vst v63  }
0x148: {  	s22 =	simm.s32 $0xFA00  }
0x149: {  	[tilespmem:s22], [sflag:$0x1] =	stream.indirect_vreg.gather [hbm4b:s5+s3], $0x80, v3, vm0, $0xb8;
	[tilespmem:$0x14200] =	vst v63  }
0x14a: {  	s21 =	rddreg [dreg:$0xe]  }
0x14b: {  	[tilespmem:s0], [sflag:$0x2] =	stream.indirect.gather [hbm4b:s8+s25], $0x80, s21, s25, $0xb8;
	[tilespmem:$0x14200] =	vst v63  }
0x14c: {  	s1 =	rddreg [dreg:$0x8]  }
0x14d: {  	[hbm4b:s1+s3] =	stream.linear.scatter [tilespmem:s24], [sflag:$0x3], $0x8000, $0x38;
	[tilespmem:$0x14200] =	vst v63  }
0x14e: {  	_ =	swait.ge [sflag:s7], $0x8000  }
0x14f: {  	[sflag:s7] =	ssyncset.done $0x0  }
0x150: {  	s1 =	rddreg [dreg:$0x9];
	[sflag:s7] =	ssyncadd.s32 $0xFFFF8000  }
0x151: {  	[hbm4b:s1+s3] =	stream.linear.scatter [tilespmem:s29], [sflag:$0x3], $0x2000, $0x38;
	[tilespmem:$0x14200] =	vst v63  }
0x152: {  	_ =	swait.ge [sflag:s7], $0x2000  }
0x153: {  	[sflag:s7] =	ssyncset.done $0x0  }
0x154: {  	[sflag:s7] =	ssyncadd.s32 $0xFFFFE000  }
0x155: {  	_ =	swait.ge [sflag:s26], $0x8000  }
0x156: {  	[sflag:s26] =	ssyncset.done $0x0  }
0x157: {  	[sflag:s26] =	ssyncadd.s32 $0xFFFF8000  }
0x158: {  	_ =	swait.ge [sflag:s28], $0x2000  }
0x159: {  	[sflag:s28] =	ssyncset.done $0x0  }
0x15a: {  	s8 =	rddreg [dreg:$0xa];
	[sflag:s28] =	ssyncadd.s32 $0xFFFFE000  }
0x15b: {  	[hbm4b:s8+s3] =	stream.linear.scatter [tilespmem:s20], [sflag:$0x3], $0x8000, $0x38;
	[tilespmem:$0x14200] =	vst v63  }
0x15c: {  	_ =	swait.ge [sflag:s7], $0x8000  }
0x15d: {  	p0 =	sne.s32 s6, $0x1;
	[sflag:s7] =	ssyncset.done $0x0  }
.Ltmp0:
0x15e: {  	s22 =	rddreg [dreg:$0xb];
	[sflag:s7] =	ssyncadd.s32 $0xFFFF8000;
	(pc) =	sbr.rel @p0 .LBB2_1-.Ltmp0, $4  }
0x15f: {  	[hbm4b:s22+s3] =	stream.linear.scatter [tilespmem:s0], [sflag:$0x3], $0x2000, $0x38;
	[tilespmem:$0x14200] =	vst v63  }
0x160: {  	_ =	swait.ge [sflag:s7], $0x2000  }
0x161: {  	[sflag:s7] =	ssyncset.done $0x0  }
0x162: {  	s6 =	sadd.s32 $0xFFFFFFFF, s6;
	[sflag:s7] =	ssyncadd.s32 $0xFFFFE000  }
0x163: {  	_ =	sfence.sel $0x180000  }
0x164: {  	[bflag:$0x0] =	sbarrier.arrive $0xFFFF  }
0x165: {  	_ =	strace $0x90000047  }
0x166: {  	s0 =	stileid.u32;
	[bflag:$0x2] =	sbarrier.arrive $0xFFFF  }
0x167: {  	p0 =	sne.s32 s0, $0x0;
	s0 =	rddreg [dreg:$0x2]  }
0x168: {  	s0 =	sadd.s32 @!p0 $0x100000, s0  }
0x169: {  	[sflag:s0] =	ssyncadd.tile.s32 @!p0 $0x1;
	_ =	shalt  }
.Lfunc_end2:
_tile_overlayer_lowered:
.L_overlay_start_2:
0x16a: {  	(tag) =	ssettag $0x2  }
0x16b: {  	s0 =	rddreg [dreg:$0x0];
	s2 =	stileid.u32  }
0x16c: {  	s1 =	rddreg [dreg:$0x1];
	p0 =	sne.s32 s2, $0x0  }
0x16d: {  	s3 =	rddreg [dreg:$0x2];
	[bflag:$0x3] =	sbarrier.arrive $0xFFFF;
	s2 =	simm.s32 @!p0 $0x1C03  }
0x16e: {  	[timem:s3], [sflag:s2] =	dma.local @!p0 [hbm:s0], s1  }
0x16f: {  	s0 =	simm.s32 @!p0 $0x3  }
0x170: {  	_ =	swait.ge @!p0 [sflag:s0], s1  }
0x171: {  	s1 =	ssub.s32 @!p0 $0x0, s1;
	[sflag:s0] =	ssyncset.done @!p0 $0x0  }
0x172: {  	[sflag:s0] =	ssyncadd.s32 @!p0 s1  }
0x173: {  	[bflag:$0x3] =	sbarrier.arrive $0xFFFF  }
0x174: {  	_ =	shalt  }

</sc_bundles>
